<compile_context>
chip_gen: v7x
topology: tpu7x:2x2x1
jax: 0.10.2.dev20260603
libtpu: 0.0.44.dev20260713+nightly
codegen_flags: <defaults>
</compile_context>

<pallas_src>
import functools

import jax
import jax.numpy as jnp
from jax import lax
from jax.experimental import pallas as pl
from jax.experimental.pallas import tpu as pltpu
from jax.experimental.pallas import tpu_sc as plsc

_HIGH = jax.lax.Precision.HIGHEST
_EPS_BN = 1e-5
_EPS_D = 1e-8

MBLK = 1024
CBLK = 2048
SC_CHUNK = 128


def _prep_body(feat_ref, w1_ref, g1_ref, b1_ref, tf_ref, w2_ref, g2_ref,
               b2_ref, f_ref, sc2_ref, sh2_ref):
    B = feat_ref.shape[0]
    N = feat_ref.shape[2]
    Mtot = tf_ref.shape[2]
    w1 = w1_ref[...]
    ys = [jnp.dot(w1, feat_ref[b], preferred_element_type=jnp.float32,
                  precision=_HIGH) for b in range(B)]
    cnt1 = float(B * N)
    mean1 = sum(jnp.sum(y, axis=1, keepdims=True) for y in ys) / cnt1
    var1 = sum(jnp.sum((y - mean1) ** 2, axis=1, keepdims=True)
               for y in ys) / cnt1
    sc1 = g1_ref[...] * jax.lax.rsqrt(var1 + _EPS_BN)
    sh1 = b1_ref[...] - mean1 * sc1
    for b in range(B):
        f_ref[b] = jnp.transpose(jnp.maximum(ys[b] * sc1 + sh1, 0.0))

    cnt2 = float(B * Mtot)
    w2 = w2_ref[...]
    xmean = sum(jnp.sum(tf_ref[b], axis=1, keepdims=True)
                for b in range(B)) / cnt2
    smom = sum(jax.lax.dot_general(tf_ref[b], tf_ref[b],
                                   (((1,), (1,)), ((), ())),
                                   preferred_element_type=jnp.float32,
                                   precision=_HIGH) for b in range(B))
    mu2 = jnp.dot(w2, xmean, preferred_element_type=jnp.float32,
                  precision=_HIGH)
    ey2 = jnp.sum(jnp.dot(w2, smom, preferred_element_type=jnp.float32,
                          precision=_HIGH) * w2, axis=1,
                  keepdims=True) / cnt2
    var2 = ey2 - mu2 * mu2
    sc2 = g2_ref[...] * jax.lax.rsqrt(var2 + _EPS_BN)
    sc2_ref[...] = sc2
    sh2_ref[...] = b2_ref[...] - mu2 * sc2


def _main_body(xyz_ref, txyz_ref, tf_ref, w2_ref, sc2_ref, sh2_ref,
               pt_ref, gi0_ref, gi1_ref, gi2_ref, w0_ref, w1_ref, w2o_ref):
    S = xyz_ref[0]
    T = txyz_ref[0]
    N = S.shape[0]
    d2 = None
    for c in range(3):
        diff = S[:, c:c + 1] - T[c:c + 1, :]
        d2 = diff * diff if d2 is None else d2 + diff * diff
    iota0 = jax.lax.broadcasted_iota(jnp.int32, d2.shape, 0)
    key = jax.lax.bitcast_convert_type(
        (jax.lax.bitcast_convert_type(d2, jnp.int32) & jnp.int32(~2047))
        | iota0, jnp.float32)
    kmax = jnp.float32(jnp.inf)
    k0 = jnp.min(key, axis=0, keepdims=True)
    m1 = jnp.where(key == k0, kmax, key)
    k1 = jnp.min(m1, axis=0, keepdims=True)
    m2 = jnp.where(m1 == k1, kmax, m1)
    k2 = jnp.min(m2, axis=0, keepdims=True)
    gbase = pl.program_id(0) * N
    recips = []
    for kk, gi_ref in ((k0, gi0_ref), (k1, gi1_ref), (k2, gi2_ref)):
        kbits = jax.lax.bitcast_convert_type(kk, jnp.int32)
        gi_ref[0] = (kbits & jnp.int32(2047)) + gbase
        dq = jax.lax.bitcast_convert_type(kbits & jnp.int32(~2047),
                                          jnp.float32)
        recips.append(1.0 / (jnp.sqrt(dq) + _EPS_D))
    norm = recips[0] + recips[1] + recips[2]
    w0_ref[0] = recips[0] / norm
    w1_ref[0] = recips[1] / norm
    w2o_ref[0] = recips[2] / norm
    y2 = jnp.dot(w2_ref[...], tf_ref[0], preferred_element_type=jnp.float32,
                 precision=_HIGH)
    pt_ref[0] = jnp.maximum(y2 * sc2_ref[...] + sh2_ref[...], 0.0)


def _sc_gather_body(ftab, gi0, gi1, gi2, r0o, r1o, r2o,
                    ix0, ix1, ix2,
                    ga0, ga1, ga2, gb0, gb1, gb2,
                    sa0, sa1, sa2, sb0, sb1, sb2, rpw, nc):
    wid = lax.axis_index("s") * nc + lax.axis_index("c")
    base = wid * rpw
    nch = rpw // SC_CHUNK
    bufs = ((ga0, ga1, ga2, sa0, sa1, sa2),
            (gb0, gb1, gb2, sb0, sb1, sb2))
    pltpu.sync_copy(gi0.at[pl.ds(base, rpw)], ix0)
    pltpu.sync_copy(gi1.at[pl.ds(base, rpw)], ix1)
    pltpu.sync_copy(gi2.at[pl.ds(base, rpw)], ix2)

    def fire(ch, buf):
        r0, r1, r2, s0, s1, s2 = bufs[buf]
        sl = pl.ds(ch * SC_CHUNK, SC_CHUNK)
        return [pltpu.async_copy(ftab.at[ix0.at[sl]], r0, s0),
                pltpu.async_copy(ftab.at[ix1.at[sl]], r1, s1),
                pltpu.async_copy(ftab.at[ix2.at[sl]], r2, s2)]

    def consume(ch, buf, cps):
        for cp in cps:
            cp.wait()
        r0, r1, r2 = bufs[buf][:3]
        gsl = pl.ds(base + ch * SC_CHUNK, SC_CHUNK)
        pltpu.sync_copy(r0, r0o.at[gsl])
        pltpu.sync_copy(r1, r1o.at[gsl])
        pltpu.sync_copy(r2, r2o.at[gsl])

    prev = fire(0, 0)
    for ch in range(1, nch):
        cur = fire(ch, ch % 2)
        consume(ch - 1, (ch - 1) % 2, prev)
        prev = cur
    consume(nch - 1, (nch - 1) % 2, prev)


def _combine_body(pt_ref, r0_ref, r1_ref, r2_ref, w0_ref, w1_ref, w2_ref,
                  o_ref):
    interp_t = (w0_ref[0] * r0_ref[0]
                + w1_ref[0] * r1_ref[0]
                + w2_ref[0] * r2_ref[0])
    o_ref[0] = pt_ref[0] + jnp.transpose(interp_t)


@jax.jit
def kernel(xyz, feature, target_xyz, target_feature, W1, gamma1, beta1, W2,
           gamma2, beta2):
    B, N, _ = xyz.shape
    M = target_xyz.shape[1]
    C2 = W1.shape[0]
    BM = B * M
    txyz_t = jnp.transpose(target_xyz, (0, 2, 1))
    g1 = gamma1.reshape(C2, 1)
    b1 = beta1.reshape(C2, 1)
    g2 = gamma2.reshape(C2, 1)
    b2 = beta2.reshape(C2, 1)

    f, sc2, sh2 = pl.pallas_call(
        _prep_body,
        out_shape=[
            jax.ShapeDtypeStruct((B, N, C2), jnp.float32),
            jax.ShapeDtypeStruct((C2, 1), jnp.float32),
            jax.ShapeDtypeStruct((C2, 1), jnp.float32),
        ],
    )(feature, W1, g1, b1, target_feature, W2, g2, b2)

    grid = (B, M // MBLK)
    blk_row_i = jax.ShapeDtypeStruct((B, 1, M), jnp.int32)
    blk_row_f = jax.ShapeDtypeStruct((B, 1, M), jnp.float32)
    row_spec = pl.BlockSpec((1, 1, MBLK), lambda b, j: (b, 0, j))
    part, gi0, gi1, gi2, w0, w1, w2 = pl.pallas_call(
        _main_body,
        grid=grid,
        in_specs=[
            pl.BlockSpec((1, N, 3), lambda b, j: (b, 0, 0)),
            pl.BlockSpec((1, 3, MBLK), lambda b, j: (b, 0, j)),
            pl.BlockSpec((1, C2, MBLK), lambda b, j: (b, 0, j)),
            pl.BlockSpec((C2, C2), lambda b, j: (0, 0)),
            pl.BlockSpec((C2, 1), lambda b, j: (0, 0)),
            pl.BlockSpec((C2, 1), lambda b, j: (0, 0)),
        ],
        out_specs=[
            pl.BlockSpec((1, C2, MBLK), lambda b, j: (b, 0, j)),
            row_spec, row_spec, row_spec, row_spec, row_spec, row_spec,
        ],
        out_shape=[
            jax.ShapeDtypeStruct((B, C2, M), jnp.float32),
            blk_row_i, blk_row_i, blk_row_i,
            blk_row_f, blk_row_f, blk_row_f,
        ],
    )(xyz, txyz_t, target_feature, W2, sc2, sh2)

    ftab = f.reshape(B * N, C2)
    info = plsc.get_sparse_core_info()
    nw = info.num_cores * info.num_subcores
    rpw = BM // nw
    mesh = plsc.VectorSubcoreMesh(core_axis_name="c", subcore_axis_name="s")
    rows_ty = jax.ShapeDtypeStruct((BM, C2), jnp.float32)
    r0, r1, r2 = pl.kernel(
        functools.partial(_sc_gather_body, rpw=rpw, nc=info.num_cores),
        mesh=mesh,
        out_type=[rows_ty, rows_ty, rows_ty],
        scratch_types=(
            [pltpu.VMEM((rpw,), jnp.int32)] * 3
            + [pltpu.VMEM((SC_CHUNK, C2), jnp.float32)] * 6
            + [pltpu.SemaphoreType.DMA] * 6
        ),
    )(ftab, gi0.reshape(BM), gi1.reshape(BM), gi2.reshape(BM))
    r0, r1, r2 = (r.reshape(B, M, C2) for r in (r0, r1, r2))

    cgrid = (B, M // CBLK)
    blk_spec = pl.BlockSpec((1, CBLK, C2), lambda b, j: (b, j, 0))
    col_spec = pl.BlockSpec((1, CBLK, 1), lambda b, j: (b, j, 0))
    cm_spec = pl.BlockSpec((1, C2, CBLK), lambda b, j: (b, 0, j))
    out = pl.pallas_call(
        _combine_body,
        grid=cgrid,
        in_specs=[cm_spec, blk_spec, blk_spec, blk_spec,
                  col_spec, col_spec, col_spec],
        out_specs=cm_spec,
        out_shape=jax.ShapeDtypeStruct((B, C2, M), jnp.float32),
    )(part, r0, r1, r2,
      jnp.transpose(w0, (0, 2, 1)), jnp.transpose(w1, (0, 2, 1)),
      jnp.transpose(w2, (0, 2, 1)))
    return out

# --- scband reference (transcript-rebuilt; emitter-appended) ---
"""Pipeline reference for scband-point-transfomer-dec-module-2680059592823 (READ-ONLY COPY).

The authoritative reference and input builder live on the scoring server;
editing this copy changes nothing except your own understanding.
"""

import jax, jax.numpy as jnp
import numpy as np


def _bn(x, gamma, beta, eps=1e-5):
    # BatchNorm1d in training mode: stats over (batch, length) per channel
    mean = jnp.mean(x, axis=(0, 2), keepdims=True)
    var = jnp.var(x, axis=(0, 2), keepdims=True)
    xn = (x - mean) / jnp.sqrt(var + eps)
    return xn * gamma[None, :, None] + beta[None, :, None]


def setup_inputs(seed: int = 0) -> dict:
    key = jax.random.key(seed)
    ks = jax.random.split(key, 8)
    B, N, M, C1, C2 = 2, 2048, 8192, 256, 128
    xyz = jax.random.normal(ks[0], (B, N, 3), dtype=jnp.float32) * 5.0
    feature = jax.random.normal(ks[1], (B, C1, N), dtype=jnp.float32)
    target_xyz = jax.random.normal(ks[2], (B, M, 3), dtype=jnp.float32) * 5.0
    target_feature = jax.random.normal(ks[3], (B, C2, M), dtype=jnp.float32)
    W1 = jax.random.normal(ks[4], (C2, C1), dtype=jnp.float32) * (1.0 / np.sqrt(C1))
    W2 = jax.random.normal(ks[5], (C2, C2), dtype=jnp.float32) * (1.0 / np.sqrt(C2))
    gamma1 = jnp.ones((C2,), dtype=jnp.float32)
    beta1 = jnp.zeros((C2,), dtype=jnp.float32)
    gamma2 = jnp.ones((C2,), dtype=jnp.float32)
    beta2 = jnp.zeros((C2,), dtype=jnp.float32)
    return {"xyz": xyz, "feature": feature, "target_xyz": target_xyz,
            "target_feature": target_feature, "W1": W1, "gamma1": gamma1,
            "beta1": beta1, "W2": W2, "gamma2": gamma2, "beta2": beta2}


def reference(xyz, feature, target_xyz, target_feature, W1, gamma1, beta1, W2, gamma2, beta2):
    # three_nn: for each target point, 3 nearest neighbors among source xyz
    d2 = jnp.sum((target_xyz[:, :, None, :] - xyz[:, None, :, :]) ** 2, axis=-1)  # [B,M,N]
    neg_d2, idx = jax.lax.top_k(-d2, 3)  # smallest squared distances, ascending
    dist = jnp.sqrt(jnp.maximum(-neg_d2, 0.0))  # mmcv three_nn returns sqrt'd dists
    dist_recip = 1.0 / (dist + 1e-8)
    norm = jnp.sum(dist_recip, axis=2, keepdims=True)
    weight = dist_recip / norm  # [B,M,3]
    # linear1: Conv1d(C1->C2, k=1, no bias) + BN1d + ReLU on source features
    f = jax.nn.relu(_bn(jnp.einsum('oc,bcn->bon', W1, feature), gamma1, beta1))  # [B,C2,N]
    # three_interpolate: gather the 3 neighbors and weighted-sum
    gathered = jax.vmap(lambda fb, ib: fb[:, ib])(f, idx)  # [B,C2,M,3]
    interpolated = jnp.sum(gathered * weight[:, None, :, :], axis=-1)  # [B,C2,M]
    # linear2: Conv1d(C2->C2, k=1, no bias) + BN1d + ReLU on target features
    t = jax.nn.relu(_bn(jnp.einsum('oc,bcm->bom', W2, target_feature), gamma2, beta2))
    return t + interpolated

if __name__ == "__main__":
    import jax
    _d = setup_inputs()
    print(jax.jit(kernel)(*tuple(_d.values())))

</pallas_src>

<mosaic_0001>
#map = affine_map<(d0, d1) -> (0, 0)>
#map1 = affine_map<(d0, d1) -> (0)>
module attributes {stable_mosaic.version = 14 : i64} {
  func.func @_sc_gather_body(%arg0: i32, %arg1: i32, %arg2: memref<4096x128xf32, #tpu.memory_space<hbm>>, %arg3: memref<16384xi32, #tpu.memory_space<hbm>>, %arg4: memref<16384xi32, #tpu.memory_space<hbm>>, %arg5: memref<16384xi32, #tpu.memory_space<hbm>>, %arg6: memref<16384x128xf32, #tpu.memory_space<hbm>>, %arg7: memref<16384x128xf32, #tpu.memory_space<hbm>>, %arg8: memref<16384x128xf32, #tpu.memory_space<hbm>>, %arg9: memref<512xi32, #tpu.memory_space<vmem>>, %arg10: memref<512xi32, #tpu.memory_space<vmem>>, %arg11: memref<512xi32, #tpu.memory_space<vmem>>, %arg12: memref<128x128xf32, #tpu.memory_space<vmem>>, %arg13: memref<128x128xf32, #tpu.memory_space<vmem>>, %arg14: memref<128x128xf32, #tpu.memory_space<vmem>>, %arg15: memref<128x128xf32, #tpu.memory_space<vmem>>, %arg16: memref<128x128xf32, #tpu.memory_space<vmem>>, %arg17: memref<128x128xf32, #tpu.memory_space<vmem>>, %arg18: memref<!tpu.dma_semaphore, #tpu.memory_space<semaphore_mem>>, %arg19: memref<!tpu.dma_semaphore, #tpu.memory_space<semaphore_mem>>, %arg20: memref<!tpu.dma_semaphore, #tpu.memory_space<semaphore_mem>>, %arg21: memref<!tpu.dma_semaphore, #tpu.memory_space<semaphore_mem>>, %arg22: memref<!tpu.dma_semaphore, #tpu.memory_space<semaphore_mem>>, %arg23: memref<!tpu.dma_semaphore, #tpu.memory_space<semaphore_mem>>) attributes {dimension_semantics = [#tpu.dimension_semantics<core_parallel>, #tpu.dimension_semantics<subcore_parallel>], iteration_bounds = array<i64: 2, 16>, scalar_prefetch = 0 : i64, scratch_operands = 15 : i64, tpu.core_type = #tpu.core_type<sc_vector_subcore>, window_params = [{transform_indices = #map}, {transform_indices = #map1}, {transform_indices = #map1}, {transform_indices = #map1}, {transform_indices = #map}, {transform_indices = #map}, {transform_indices = #map}]} {
    %mul3A = arith.constant 2 : i32
    %mul3A_0 = arith.muli %arg1, %mul3A : i32
    %add3A = arith.addi %mul3A_0, %arg0 : i32
    %mul3A_1 = arith.constant 512 : i32
    %mul3A_2 = arith.muli %add3A, %mul3A_1 : i32
    "tpu.region"() ({
      %run_scoped3A = tpu.sem_alloc : memref<!tpu.dma_semaphore, #tpu.memory_space<semaphore_mem>>
      %dma_start3A_129 = tpu.memref_slice %arg3[%mul3A_2] : memref<16384xi32, #tpu.memory_space<hbm>> -> memref<512xi32, #tpu.memory_space<hbm>>
      %dma_start3A_130 = tpu.memref_slice %arg3[%mul3A_2] : memref<16384xi32, #tpu.memory_space<hbm>> -> memref<512xi32, #tpu.memory_space<hbm>>
      tpu.enqueue_dma source(%dma_start3A_130 : memref<512xi32, #tpu.memory_space<hbm>>) target(%arg9 : memref<512xi32, #tpu.memory_space<vmem>>) target_semaphore(%run_scoped3A : memref<!tpu.dma_semaphore, #tpu.memory_space<semaphore_mem>>)
      %dma_wait3A_131 = tpu.memref_slice %arg3[%mul3A_2] : memref<16384xi32, #tpu.memory_space<hbm>> -> memref<512xi32, #tpu.memory_space<hbm>>
      %dma_wait3A_132 = tpu.memref_slice %arg3[%mul3A_2] : memref<16384xi32, #tpu.memory_space<hbm>> -> memref<512xi32, #tpu.memory_space<hbm>>
      tpu.wait_dma2 semaphore(%run_scoped3A : memref<!tpu.dma_semaphore, #tpu.memory_space<semaphore_mem>>) src(%dma_wait3A_132 : memref<512xi32, #tpu.memory_space<hbm>>) dst(%arg9 : memref<512xi32, #tpu.memory_space<vmem>>)
      tpu.yield
    }) : () -> ()
    "tpu.region"() ({
      %run_scoped3A = tpu.sem_alloc : memref<!tpu.dma_semaphore, #tpu.memory_space<semaphore_mem>>
      %dma_start3A_129 = tpu.memref_slice %arg4[%mul3A_2] : memref<16384xi32, #tpu.memory_space<hbm>> -> memref<512xi32, #tpu.memory_space<hbm>>
      %dma_start3A_130 = tpu.memref_slice %arg4[%mul3A_2] : memref<16384xi32, #tpu.memory_space<hbm>> -> memref<512xi32, #tpu.memory_space<hbm>>
      tpu.enqueue_dma source(%dma_start3A_130 : memref<512xi32, #tpu.memory_space<hbm>>) target(%arg10 : memref<512xi32, #tpu.memory_space<vmem>>) target_semaphore(%run_scoped3A : memref<!tpu.dma_semaphore, #tpu.memory_space<semaphore_mem>>)
      %dma_wait3A_131 = tpu.memref_slice %arg4[%mul3A_2] : memref<16384xi32, #tpu.memory_space<hbm>> -> memref<512xi32, #tpu.memory_space<hbm>>
      %dma_wait3A_132 = tpu.memref_slice %arg4[%mul3A_2] : memref<16384xi32, #tpu.memory_space<hbm>> -> memref<512xi32, #tpu.memory_space<hbm>>
      tpu.wait_dma2 semaphore(%run_scoped3A : memref<!tpu.dma_semaphore, #tpu.memory_space<semaphore_mem>>) src(%dma_wait3A_132 : memref<512xi32, #tpu.memory_space<hbm>>) dst(%arg10 : memref<512xi32, #tpu.memory_space<vmem>>)
      tpu.yield
    }) : () -> ()
    "tpu.region"() ({
      %run_scoped3A = tpu.sem_alloc : memref<!tpu.dma_semaphore, #tpu.memory_space<semaphore_mem>>
      %dma_start3A_129 = tpu.memref_slice %arg5[%mul3A_2] : memref<16384xi32, #tpu.memory_space<hbm>> -> memref<512xi32, #tpu.memory_space<hbm>>
      %dma_start3A_130 = tpu.memref_slice %arg5[%mul3A_2] : memref<16384xi32, #tpu.memory_space<hbm>> -> memref<512xi32, #tpu.memory_space<hbm>>
      tpu.enqueue_dma source(%dma_start3A_130 : memref<512xi32, #tpu.memory_space<hbm>>) target(%arg11 : memref<512xi32, #tpu.memory_space<vmem>>) target_semaphore(%run_scoped3A : memref<!tpu.dma_semaphore, #tpu.memory_space<semaphore_mem>>)
      %dma_wait3A_131 = tpu.memref_slice %arg5[%mul3A_2] : memref<16384xi32, #tpu.memory_space<hbm>> -> memref<512xi32, #tpu.memory_space<hbm>>
      %dma_wait3A_132 = tpu.memref_slice %arg5[%mul3A_2] : memref<16384xi32, #tpu.memory_space<hbm>> -> memref<512xi32, #tpu.memory_space<hbm>>
      tpu.wait_dma2 semaphore(%run_scoped3A : memref<!tpu.dma_semaphore, #tpu.memory_space<semaphore_mem>>) src(%dma_wait3A_132 : memref<512xi32, #tpu.memory_space<hbm>>) dst(%arg11 : memref<512xi32, #tpu.memory_space<vmem>>)
      tpu.yield
    }) : () -> ()
    %dma_start3A = arith.constant 0 : i32
    %dma_start3A_3 = tpu.memref_slice %arg9[%dma_start3A] : memref<512xi32, #tpu.memory_space<vmem>> -> memref<128xi32, #tpu.memory_space<vmem>>
    %dma_start3A_4 = arith.constant 0 : i32
    %dma_start3A_5 = arith.constant 0 : i32
    %dma_start3A_6 = tpu.memref_slice %arg2[%dma_start3A_4, %dma_start3A_5] : memref<4096x128xf32, #tpu.memory_space<hbm>> -> memref<4096x128xf32, #tpu.memory_space<hbm>>
    tpu.enqueue_indirect_dma source(%dma_start3A_6 : memref<4096x128xf32, #tpu.memory_space<hbm>>) target(%arg12 : memref<128x128xf32, #tpu.memory_space<vmem>>) offsets(%dma_start3A_3 : memref<128xi32, #tpu.memory_space<vmem>>) semaphore(%arg18 : memref<!tpu.dma_semaphore, #tpu.memory_space<semaphore_mem>>)
    %dma_start3A_7 = arith.constant 0 : i32
    %dma_start3A_8 = tpu.memref_slice %arg10[%dma_start3A_7] : memref<512xi32, #tpu.memory_space<vmem>> -> memref<128xi32, #tpu.memory_space<vmem>>
    %dma_start3A_9 = arith.constant 0 : i32
    %dma_start3A_10 = arith.constant 0 : i32
    %dma_start3A_11 = tpu.memref_slice %arg2[%dma_start3A_9, %dma_start3A_10] : memref<4096x128xf32, #tpu.memory_space<hbm>> -> memref<4096x128xf32, #tpu.memory_space<hbm>>
    tpu.enqueue_indirect_dma source(%dma_start3A_11 : memref<4096x128xf32, #tpu.memory_space<hbm>>) target(%arg13 : memref<128x128xf32, #tpu.memory_space<vmem>>) offsets(%dma_start3A_8 : memref<128xi32, #tpu.memory_space<vmem>>) semaphore(%arg19 : memref<!tpu.dma_semaphore, #tpu.memory_space<semaphore_mem>>)
    %dma_start3A_12 = arith.constant 0 : i32
    %dma_start3A_13 = tpu.memref_slice %arg11[%dma_start3A_12] : memref<512xi32, #tpu.memory_space<vmem>> -> memref<128xi32, #tpu.memory_space<vmem>>
    %dma_start3A_14 = arith.constant 0 : i32
    %dma_start3A_15 = arith.constant 0 : i32
    %dma_start3A_16 = tpu.memref_slice %arg2[%dma_start3A_14, %dma_start3A_15] : memref<4096x128xf32, #tpu.memory_space<hbm>> -> memref<4096x128xf32, #tpu.memory_space<hbm>>
    tpu.enqueue_indirect_dma source(%dma_start3A_16 : memref<4096x128xf32, #tpu.memory_space<hbm>>) target(%arg14 : memref<128x128xf32, #tpu.memory_space<vmem>>) offsets(%dma_start3A_13 : memref<128xi32, #tpu.memory_space<vmem>>) semaphore(%arg20 : memref<!tpu.dma_semaphore, #tpu.memory_space<semaphore_mem>>)
    %dma_start3A_17 = arith.constant 128 : i32
    %dma_start3A_18 = tpu.memref_slice %arg9[%dma_start3A_17] : memref<512xi32, #tpu.memory_space<vmem>> -> memref<128xi32, #tpu.memory_space<vmem>>
    %dma_start3A_19 = arith.constant 0 : i32
    %dma_start3A_20 = arith.constant 0 : i32
    %dma_start3A_21 = tpu.memref_slice %arg2[%dma_start3A_19, %dma_start3A_20] : memref<4096x128xf32, #tpu.memory_space<hbm>> -> memref<4096x128xf32, #tpu.memory_space<hbm>>
    tpu.enqueue_indirect_dma source(%dma_start3A_21 : memref<4096x128xf32, #tpu.memory_space<hbm>>) target(%arg15 : memref<128x128xf32, #tpu.memory_space<vmem>>) offsets(%dma_start3A_18 : memref<128xi32, #tpu.memory_space<vmem>>) semaphore(%arg21 : memref<!tpu.dma_semaphore, #tpu.memory_space<semaphore_mem>>)
    %dma_start3A_22 = arith.constant 128 : i32
    %dma_start3A_23 = tpu.memref_slice %arg10[%dma_start3A_22] : memref<512xi32, #tpu.memory_space<vmem>> -> memref<128xi32, #tpu.memory_space<vmem>>
    %dma_start3A_24 = arith.constant 0 : i32
    %dma_start3A_25 = arith.constant 0 : i32
    %dma_start3A_26 = tpu.memref_slice %arg2[%dma_start3A_24, %dma_start3A_25] : memref<4096x128xf32, #tpu.memory_space<hbm>> -> memref<4096x128xf32, #tpu.memory_space<hbm>>
    tpu.enqueue_indirect_dma source(%dma_start3A_26 : memref<4096x128xf32, #tpu.memory_space<hbm>>) target(%arg16 : memref<128x128xf32, #tpu.memory_space<vmem>>) offsets(%dma_start3A_23 : memref<128xi32, #tpu.memory_space<vmem>>) semaphore(%arg22 : memref<!tpu.dma_semaphore, #tpu.memory_space<semaphore_mem>>)
    %dma_start3A_27 = arith.constant 128 : i32
    %dma_start3A_28 = tpu.memref_slice %arg11[%dma_start3A_27] : memref<512xi32, #tpu.memory_space<vmem>> -> memref<128xi32, #tpu.memory_space<vmem>>
    %dma_start3A_29 = arith.constant 0 : i32
    %dma_start3A_30 = arith.constant 0 : i32
    %dma_start3A_31 = tpu.memref_slice %arg2[%dma_start3A_29, %dma_start3A_30] : memref<4096x128xf32, #tpu.memory_space<hbm>> -> memref<4096x128xf32, #tpu.memory_space<hbm>>
    tpu.enqueue_indirect_dma source(%dma_start3A_31 : memref<4096x128xf32, #tpu.memory_space<hbm>>) target(%arg17 : memref<128x128xf32, #tpu.memory_space<vmem>>) offsets(%dma_start3A_28 : memref<128xi32, #tpu.memory_space<vmem>>) semaphore(%arg23 : memref<!tpu.dma_semaphore, #tpu.memory_space<semaphore_mem>>)
    %dma_wait3A = arith.constant 0 : i32
    %dma_wait3A_32 = tpu.memref_slice %arg9[%dma_wait3A] : memref<512xi32, #tpu.memory_space<vmem>> -> memref<128xi32, #tpu.memory_space<vmem>>
    %dma_wait3A_33 = arith.constant 0 : i32
    %dma_wait3A_34 = arith.constant 0 : i32
    %dma_wait3A_35 = tpu.memref_slice %arg2[%dma_wait3A_33, %dma_wait3A_34] : memref<4096x128xf32, #tpu.memory_space<hbm>> -> memref<4096x128xf32, #tpu.memory_space<hbm>>
    tpu.wait_indirect_dma semaphore(%arg18 : memref<!tpu.dma_semaphore, #tpu.memory_space<semaphore_mem>>) src(%dma_wait3A_35 : memref<4096x128xf32, #tpu.memory_space<hbm>>) dst(%arg12 : memref<128x128xf32, #tpu.memory_space<vmem>>)
    %dma_wait3A_36 = arith.constant 0 : i32
    %dma_wait3A_37 = tpu.memref_slice %arg10[%dma_wait3A_36] : memref<512xi32, #tpu.memory_space<vmem>> -> memref<128xi32, #tpu.memory_space<vmem>>
    %dma_wait3A_38 = arith.constant 0 : i32
    %dma_wait3A_39 = arith.constant 0 : i32
    %dma_wait3A_40 = tpu.memref_slice %arg2[%dma_wait3A_38, %dma_wait3A_39] : memref<4096x128xf32, #tpu.memory_space<hbm>> -> memref<4096x128xf32, #tpu.memory_space<hbm>>
    tpu.wait_indirect_dma semaphore(%arg19 : memref<!tpu.dma_semaphore, #tpu.memory_space<semaphore_mem>>) src(%dma_wait3A_40 : memref<4096x128xf32, #tpu.memory_space<hbm>>) dst(%arg13 : memref<128x128xf32, #tpu.memory_space<vmem>>)
    %dma_wait3A_41 = arith.constant 0 : i32
    %dma_wait3A_42 = tpu.memref_slice %arg11[%dma_wait3A_41] : memref<512xi32, #tpu.memory_space<vmem>> -> memref<128xi32, #tpu.memory_space<vmem>>
    %dma_wait3A_43 = arith.constant 0 : i32
    %dma_wait3A_44 = arith.constant 0 : i32
    %dma_wait3A_45 = tpu.memref_slice %arg2[%dma_wait3A_43, %dma_wait3A_44] : memref<4096x128xf32, #tpu.memory_space<hbm>> -> memref<4096x128xf32, #tpu.memory_space<hbm>>
    tpu.wait_indirect_dma semaphore(%arg20 : memref<!tpu.dma_semaphore, #tpu.memory_space<semaphore_mem>>) src(%dma_wait3A_45 : memref<4096x128xf32, #tpu.memory_space<hbm>>) dst(%arg14 : memref<128x128xf32, #tpu.memory_space<vmem>>)
    %add3A_46 = arith.constant 0 : i32
    %add3A_47 = arith.addi %mul3A_2, %add3A_46 : i32
    "tpu.region"() ({
      %run_scoped3A = tpu.sem_alloc : memref<!tpu.dma_semaphore, #tpu.memory_space<semaphore_mem>>
      %dma_start3A_129 = arith.constant 0 : i32
      %dma_start3A_130 = tpu.memref_slice %arg6[%add3A_47, %dma_start3A_129] : memref<16384x128xf32, #tpu.memory_space<hbm>> -> memref<128x128xf32, #tpu.memory_space<hbm>>
      %dma_start3A_131 = arith.constant 0 : i32
      %dma_start3A_132 = tpu.memref_slice %arg6[%add3A_47, %dma_start3A_131] : memref<16384x128xf32, #tpu.memory_space<hbm>> -> memref<128x128xf32, #tpu.memory_space<hbm>>
      tpu.enqueue_dma source(%arg12 : memref<128x128xf32, #tpu.memory_space<vmem>>) target(%dma_start3A_132 : memref<128x128xf32, #tpu.memory_space<hbm>>) target_semaphore(%run_scoped3A : memref<!tpu.dma_semaphore, #tpu.memory_space<semaphore_mem>>)
      %dma_wait3A_133 = arith.constant 0 : i32
      %dma_wait3A_134 = tpu.memref_slice %arg6[%add3A_47, %dma_wait3A_133] : memref<16384x128xf32, #tpu.memory_space<hbm>> -> memref<128x128xf32, #tpu.memory_space<hbm>>
      %dma_wait3A_135 = arith.constant 0 : i32
      %dma_wait3A_136 = tpu.memref_slice %arg6[%add3A_47, %dma_wait3A_135] : memref<16384x128xf32, #tpu.memory_space<hbm>> -> memref<128x128xf32, #tpu.memory_space<hbm>>
      tpu.wait_dma2 semaphore(%run_scoped3A : memref<!tpu.dma_semaphore, #tpu.memory_space<semaphore_mem>>) src(%arg12 : memref<128x128xf32, #tpu.memory_space<vmem>>) dst(%dma_wait3A_136 : memref<128x128xf32, #tpu.memory_space<hbm>>)
      tpu.yield
    }) : () -> ()
    "tpu.region"() ({
      %run_scoped3A = tpu.sem_alloc : memref<!tpu.dma_semaphore, #tpu.memory_space<semaphore_mem>>
      %dma_start3A_129 = arith.constant 0 : i32
      %dma_start3A_130 = tpu.memref_slice %arg7[%add3A_47, %dma_start3A_129] : memref<16384x128xf32, #tpu.memory_space<hbm>> -> memref<128x128xf32, #tpu.memory_space<hbm>>
      %dma_start3A_131 = arith.constant 0 : i32
      %dma_start3A_132 = tpu.memref_slice %arg7[%add3A_47, %dma_start3A_131] : memref<16384x128xf32, #tpu.memory_space<hbm>> -> memref<128x128xf32, #tpu.memory_space<hbm>>
      tpu.enqueue_dma source(%arg13 : memref<128x128xf32, #tpu.memory_space<vmem>>) target(%dma_start3A_132 : memref<128x128xf32, #tpu.memory_space<hbm>>) target_semaphore(%run_scoped3A : memref<!tpu.dma_semaphore, #tpu.memory_space<semaphore_mem>>)
      %dma_wait3A_133 = arith.constant 0 : i32
      %dma_wait3A_134 = tpu.memref_slice %arg7[%add3A_47, %dma_wait3A_133] : memref<16384x128xf32, #tpu.memory_space<hbm>> -> memref<128x128xf32, #tpu.memory_space<hbm>>
      %dma_wait3A_135 = arith.constant 0 : i32
      %dma_wait3A_136 = tpu.memref_slice %arg7[%add3A_47, %dma_wait3A_135] : memref<16384x128xf32, #tpu.memory_space<hbm>> -> memref<128x128xf32, #tpu.memory_space<hbm>>
      tpu.wait_dma2 semaphore(%run_scoped3A : memref<!tpu.dma_semaphore, #tpu.memory_space<semaphore_mem>>) src(%arg13 : memref<128x128xf32, #tpu.memory_space<vmem>>) dst(%dma_wait3A_136 : memref<128x128xf32, #tpu.memory_space<hbm>>)
      tpu.yield
    }) : () -> ()
    "tpu.region"() ({
      %run_scoped3A = tpu.sem_alloc : memref<!tpu.dma_semaphore, #tpu.memory_space<semaphore_mem>>
      %dma_start3A_129 = arith.constant 0 : i32
      %dma_start3A_130 = tpu.memref_slice %arg8[%add3A_47, %dma_start3A_129] : memref<16384x128xf32, #tpu.memory_space<hbm>> -> memref<128x128xf32, #tpu.memory_space<hbm>>
      %dma_start3A_131 = arith.constant 0 : i32
      %dma_start3A_132 = tpu.memref_slice %arg8[%add3A_47, %dma_start3A_131] : memref<16384x128xf32, #tpu.memory_space<hbm>> -> memref<128x128xf32, #tpu.memory_space<hbm>>
      tpu.enqueue_dma source(%arg14 : memref<128x128xf32, #tpu.memory_space<vmem>>) target(%dma_start3A_132 : memref<128x128xf32, #tpu.memory_space<hbm>>) target_semaphore(%run_scoped3A : memref<!tpu.dma_semaphore, #tpu.memory_space<semaphore_mem>>)
      %dma_wait3A_133 = arith.constant 0 : i32
      %dma_wait3A_134 = tpu.memref_slice %arg8[%add3A_47, %dma_wait3A_133] : memref<16384x128xf32, #tpu.memory_space<hbm>> -> memref<128x128xf32, #tpu.memory_space<hbm>>
      %dma_wait3A_135 = arith.constant 0 : i32
      %dma_wait3A_136 = tpu.memref_slice %arg8[%add3A_47, %dma_wait3A_135] : memref<16384x128xf32, #tpu.memory_space<hbm>> -> memref<128x128xf32, #tpu.memory_space<hbm>>
      tpu.wait_dma2 semaphore(%run_scoped3A : memref<!tpu.dma_semaphore, #tpu.memory_space<semaphore_mem>>) src(%arg14 : memref<128x128xf32, #tpu.memory_space<vmem>>) dst(%dma_wait3A_136 : memref<128x128xf32, #tpu.memory_space<hbm>>)
      tpu.yield
    }) : () -> ()
    %dma_start3A_48 = arith.constant 256 : i32
    %dma_start3A_49 = tpu.memref_slice %arg9[%dma_start3A_48] : memref<512xi32, #tpu.memory_space<vmem>> -> memref<128xi32, #tpu.memory_space<vmem>>
    %dma_start3A_50 = arith.constant 0 : i32
    %dma_start3A_51 = arith.constant 0 : i32
    %dma_start3A_52 = tpu.memref_slice %arg2[%dma_start3A_50, %dma_start3A_51] : memref<4096x128xf32, #tpu.memory_space<hbm>> -> memref<4096x128xf32, #tpu.memory_space<hbm>>
    tpu.enqueue_indirect_dma source(%dma_start3A_52 : memref<4096x128xf32, #tpu.memory_space<hbm>>) target(%arg12 : memref<128x128xf32, #tpu.memory_space<vmem>>) offsets(%dma_start3A_49 : memref<128xi32, #tpu.memory_space<vmem>>) semaphore(%arg18 : memref<!tpu.dma_semaphore, #tpu.memory_space<semaphore_mem>>)
    %dma_start3A_53 = arith.constant 256 : i32
    %dma_start3A_54 = tpu.memref_slice %arg10[%dma_start3A_53] : memref<512xi32, #tpu.memory_space<vmem>> -> memref<128xi32, #tpu.memory_space<vmem>>
    %dma_start3A_55 = arith.constant 0 : i32
    %dma_start3A_56 = arith.constant 0 : i32
    %dma_start3A_57 = tpu.memref_slice %arg2[%dma_start3A_55, %dma_start3A_56] : memref<4096x128xf32, #tpu.memory_space<hbm>> -> memref<4096x128xf32, #tpu.memory_space<hbm>>
    tpu.enqueue_indirect_dma source(%dma_start3A_57 : memref<4096x128xf32, #tpu.memory_space<hbm>>) target(%arg13 : memref<128x128xf32, #tpu.memory_space<vmem>>) offsets(%dma_start3A_54 : memref<128xi32, #tpu.memory_space<vmem>>) semaphore(%arg19 : memref<!tpu.dma_semaphore, #tpu.memory_space<semaphore_mem>>)
    %dma_start3A_58 = arith.constant 256 : i32
    %dma_start3A_59 = tpu.memref_slice %arg11[%dma_start3A_58] : memref<512xi32, #tpu.memory_space<vmem>> -> memref<128xi32, #tpu.memory_space<vmem>>
    %dma_start3A_60 = arith.constant 0 : i32
    %dma_start3A_61 = arith.constant 0 : i32
    %dma_start3A_62 = tpu.memref_slice %arg2[%dma_start3A_60, %dma_start3A_61] : memref<4096x128xf32, #tpu.memory_space<hbm>> -> memref<4096x128xf32, #tpu.memory_space<hbm>>
    tpu.enqueue_indirect_dma source(%dma_start3A_62 : memref<4096x128xf32, #tpu.memory_space<hbm>>) target(%arg14 : memref<128x128xf32, #tpu.memory_space<vmem>>) offsets(%dma_start3A_59 : memref<128xi32, #tpu.memory_space<vmem>>) semaphore(%arg20 : memref<!tpu.dma_semaphore, #tpu.memory_space<semaphore_mem>>)
    %dma_wait3A_63 = arith.constant 128 : i32
    %dma_wait3A_64 = tpu.memref_slice %arg9[%dma_wait3A_63] : memref<512xi32, #tpu.memory_space<vmem>> -> memref<128xi32, #tpu.memory_space<vmem>>
    %dma_wait3A_65 = arith.constant 0 : i32
    %dma_wait3A_66 = arith.constant 0 : i32
    %dma_wait3A_67 = tpu.memref_slice %arg2[%dma_wait3A_65, %dma_wait3A_66] : memref<4096x128xf32, #tpu.memory_space<hbm>> -> memref<4096x128xf32, #tpu.memory_space<hbm>>
    tpu.wait_indirect_dma semaphore(%arg21 : memref<!tpu.dma_semaphore, #tpu.memory_space<semaphore_mem>>) src(%dma_wait3A_67 : memref<4096x128xf32, #tpu.memory_space<hbm>>) dst(%arg15 : memref<128x128xf32, #tpu.memory_space<vmem>>)
    %dma_wait3A_68 = arith.constant 128 : i32
    %dma_wait3A_69 = tpu.memref_slice %arg10[%dma_wait3A_68] : memref<512xi32, #tpu.memory_space<vmem>> -> memref<128xi32, #tpu.memory_space<vmem>>
    %dma_wait3A_70 = arith.constant 0 : i32
    %dma_wait3A_71 = arith.constant 0 : i32
    %dma_wait3A_72 = tpu.memref_slice %arg2[%dma_wait3A_70, %dma_wait3A_71] : memref<4096x128xf32, #tpu.memory_space<hbm>> -> memref<4096x128xf32, #tpu.memory_space<hbm>>
    tpu.wait_indirect_dma semaphore(%arg22 : memref<!tpu.dma_semaphore, #tpu.memory_space<semaphore_mem>>) src(%dma_wait3A_72 : memref<4096x128xf32, #tpu.memory_space<hbm>>) dst(%arg16 : memref<128x128xf32, #tpu.memory_space<vmem>>)
    %dma_wait3A_73 = arith.constant 128 : i32
    %dma_wait3A_74 = tpu.memref_slice %arg11[%dma_wait3A_73] : memref<512xi32, #tpu.memory_space<vmem>> -> memref<128xi32, #tpu.memory_space<vmem>>
    %dma_wait3A_75 = arith.constant 0 : i32
    %dma_wait3A_76 = arith.constant 0 : i32
    %dma_wait3A_77 = tpu.memref_slice %arg2[%dma_wait3A_75, %dma_wait3A_76] : memref<4096x128xf32, #tpu.memory_space<hbm>> -> memref<4096x128xf32, #tpu.memory_space<hbm>>
    tpu.wait_indirect_dma semaphore(%arg23 : memref<!tpu.dma_semaphore, #tpu.memory_space<semaphore_mem>>) src(%dma_wait3A_77 : memref<4096x128xf32, #tpu.memory_space<hbm>>) dst(%arg17 : memref<128x128xf32, #tpu.memory_space<vmem>>)
    %add3A_78 = arith.constant 128 : i32
    %add3A_79 = arith.addi %mul3A_2, %add3A_78 : i32
    "tpu.region"() ({
      %run_scoped3A = tpu.sem_alloc : memref<!tpu.dma_semaphore, #tpu.memory_space<semaphore_mem>>
      %dma_start3A_129 = arith.constant 0 : i32
      %dma_start3A_130 = tpu.memref_slice %arg6[%add3A_79, %dma_start3A_129] : memref<16384x128xf32, #tpu.memory_space<hbm>> -> memref<128x128xf32, #tpu.memory_space<hbm>>
      %dma_start3A_131 = arith.constant 0 : i32
      %dma_start3A_132 = tpu.memref_slice %arg6[%add3A_79, %dma_start3A_131] : memref<16384x128xf32, #tpu.memory_space<hbm>> -> memref<128x128xf32, #tpu.memory_space<hbm>>
      tpu.enqueue_dma source(%arg15 : memref<128x128xf32, #tpu.memory_space<vmem>>) target(%dma_start3A_132 : memref<128x128xf32, #tpu.memory_space<hbm>>) target_semaphore(%run_scoped3A : memref<!tpu.dma_semaphore, #tpu.memory_space<semaphore_mem>>)
      %dma_wait3A_133 = arith.constant 0 : i32
      %dma_wait3A_134 = tpu.memref_slice %arg6[%add3A_79, %dma_wait3A_133] : memref<16384x128xf32, #tpu.memory_space<hbm>> -> memref<128x128xf32, #tpu.memory_space<hbm>>
      %dma_wait3A_135 = arith.constant 0 : i32
      %dma_wait3A_136 = tpu.memref_slice %arg6[%add3A_79, %dma_wait3A_135] : memref<16384x128xf32, #tpu.memory_space<hbm>> -> memref<128x128xf32, #tpu.memory_space<hbm>>
      tpu.wait_dma2 semaphore(%run_scoped3A : memref<!tpu.dma_semaphore, #tpu.memory_space<semaphore_mem>>) src(%arg15 : memref<128x128xf32, #tpu.memory_space<vmem>>) dst(%dma_wait3A_136 : memref<128x128xf32, #tpu.memory_space<hbm>>)
      tpu.yield
    }) : () -> ()
    "tpu.region"() ({
      %run_scoped3A = tpu.sem_alloc : memref<!tpu.dma_semaphore, #tpu.memory_space<semaphore_mem>>
      %dma_start3A_129 = arith.constant 0 : i32
      %dma_start3A_130 = tpu.memref_slice %arg7[%add3A_79, %dma_start3A_129] : memref<16384x128xf32, #tpu.memory_space<hbm>> -> memref<128x128xf32, #tpu.memory_space<hbm>>
      %dma_start3A_131 = arith.constant 0 : i32
      %dma_start3A_132 = tpu.memref_slice %arg7[%add3A_79, %dma_start3A_131] : memref<16384x128xf32, #tpu.memory_space<hbm>> -> memref<128x128xf32, #tpu.memory_space<hbm>>
      tpu.enqueue_dma source(%arg16 : memref<128x128xf32, #tpu.memory_space<vmem>>) target(%dma_start3A_132 : memref<128x128xf32, #tpu.memory_space<hbm>>) target_semaphore(%run_scoped3A : memref<!tpu.dma_semaphore, #tpu.memory_space<semaphore_mem>>)
      %dma_wait3A_133 = arith.constant 0 : i32
      %dma_wait3A_134 = tpu.memref_slice %arg7[%add3A_79, %dma_wait3A_133] : memref<16384x128xf32, #tpu.memory_space<hbm>> -> memref<128x128xf32, #tpu.memory_space<hbm>>
      %dma_wait3A_135 = arith.constant 0 : i32
      %dma_wait3A_136 = tpu.memref_slice %arg7[%add3A_79, %dma_wait3A_135] : memref<16384x128xf32, #tpu.memory_space<hbm>> -> memref<128x128xf32, #tpu.memory_space<hbm>>
      tpu.wait_dma2 semaphore(%run_scoped3A : memref<!tpu.dma_semaphore, #tpu.memory_space<semaphore_mem>>) src(%arg16 : memref<128x128xf32, #tpu.memory_space<vmem>>) dst(%dma_wait3A_136 : memref<128x128xf32, #tpu.memory_space<hbm>>)
      tpu.yield
    }) : () -> ()
    "tpu.region"() ({
      %run_scoped3A = tpu.sem_alloc : memref<!tpu.dma_semaphore, #tpu.memory_space<semaphore_mem>>
      %dma_start3A_129 = arith.constant 0 : i32
      %dma_start3A_130 = tpu.memref_slice %arg8[%add3A_79, %dma_start3A_129] : memref<16384x128xf32, #tpu.memory_space<hbm>> -> memref<128x128xf32, #tpu.memory_space<hbm>>
      %dma_start3A_131 = arith.constant 0 : i32
      %dma_start3A_132 = tpu.memref_slice %arg8[%add3A_79, %dma_start3A_131] : memref<16384x128xf32, #tpu.memory_space<hbm>> -> memref<128x128xf32, #tpu.memory_space<hbm>>
      tpu.enqueue_dma source(%arg17 : memref<128x128xf32, #tpu.memory_space<vmem>>) target(%dma_start3A_132 : memref<128x128xf32, #tpu.memory_space<hbm>>) target_semaphore(%run_scoped3A : memref<!tpu.dma_semaphore, #tpu.memory_space<semaphore_mem>>)
      %dma_wait3A_133 = arith.constant 0 : i32
      %dma_wait3A_134 = tpu.memref_slice %arg8[%add3A_79, %dma_wait3A_133] : memref<16384x128xf32, #tpu.memory_space<hbm>> -> memref<128x128xf32, #tpu.memory_space<hbm>>
      %dma_wait3A_135 = arith.constant 0 : i32
      %dma_wait3A_136 = tpu.memref_slice %arg8[%add3A_79, %dma_wait3A_135] : memref<16384x128xf32, #tpu.memory_space<hbm>> -> memref<128x128xf32, #tpu.memory_space<hbm>>
      tpu.wait_dma2 semaphore(%run_scoped3A : memref<!tpu.dma_semaphore, #tpu.memory_space<semaphore_mem>>) src(%arg17 : memref<128x128xf32, #tpu.memory_space<vmem>>) dst(%dma_wait3A_136 : memref<128x128xf32, #tpu.memory_space<hbm>>)
      tpu.yield
    }) : () -> ()
    %dma_start3A_80 = arith.constant 384 : i32
    %dma_start3A_81 = tpu.memref_slice %arg9[%dma_start3A_80] : memref<512xi32, #tpu.memory_space<vmem>> -> memref<128xi32, #tpu.memory_space<vmem>>
    %dma_start3A_82 = arith.constant 0 : i32
    %dma_start3A_83 = arith.constant 0 : i32
    %dma_start3A_84 = tpu.memref_slice %arg2[%dma_start3A_82, %dma_start3A_83] : memref<4096x128xf32, #tpu.memory_space<hbm>> -> memref<4096x128xf32, #tpu.memory_space<hbm>>
    tpu.enqueue_indirect_dma source(%dma_start3A_84 : memref<4096x128xf32, #tpu.memory_space<hbm>>) target(%arg15 : memref<128x128xf32, #tpu.memory_space<vmem>>) offsets(%dma_start3A_81 : memref<128xi32, #tpu.memory_space<vmem>>) semaphore(%arg21 : memref<!tpu.dma_semaphore, #tpu.memory_space<semaphore_mem>>)
    %dma_start3A_85 = arith.constant 384 : i32
    %dma_start3A_86 = tpu.memref_slice %arg10[%dma_start3A_85] : memref<512xi32, #tpu.memory_space<vmem>> -> memref<128xi32, #tpu.memory_space<vmem>>
    %dma_start3A_87 = arith.constant 0 : i32
    %dma_start3A_88 = arith.constant 0 : i32
    %dma_start3A_89 = tpu.memref_slice %arg2[%dma_start3A_87, %dma_start3A_88] : memref<4096x128xf32, #tpu.memory_space<hbm>> -> memref<4096x128xf32, #tpu.memory_space<hbm>>
    tpu.enqueue_indirect_dma source(%dma_start3A_89 : memref<4096x128xf32, #tpu.memory_space<hbm>>) target(%arg16 : memref<128x128xf32, #tpu.memory_space<vmem>>) offsets(%dma_start3A_86 : memref<128xi32, #tpu.memory_space<vmem>>) semaphore(%arg22 : memref<!tpu.dma_semaphore, #tpu.memory_space<semaphore_mem>>)
    %dma_start3A_90 = arith.constant 384 : i32
    %dma_start3A_91 = tpu.memref_slice %arg11[%dma_start3A_90] : memref<512xi32, #tpu.memory_space<vmem>> -> memref<128xi32, #tpu.memory_space<vmem>>
    %dma_start3A_92 = arith.constant 0 : i32
    %dma_start3A_93 = arith.constant 0 : i32
    %dma_start3A_94 = tpu.memref_slice %arg2[%dma_start3A_92, %dma_start3A_93] : memref<4096x128xf32, #tpu.memory_space<hbm>> -> memref<4096x128xf32, #tpu.memory_space<hbm>>
    tpu.enqueue_indirect_dma source(%dma_start3A_94 : memref<4096x128xf32, #tpu.memory_space<hbm>>) target(%arg17 : memref<128x128xf32, #tpu.memory_space<vmem>>) offsets(%dma_start3A_91 : memref<128xi32, #tpu.memory_space<vmem>>) semaphore(%arg23 : memref<!tpu.dma_semaphore, #tpu.memory_space<semaphore_mem>>)
    %dma_wait3A_95 = arith.constant 256 : i32
    %dma_wait3A_96 = tpu.memref_slice %arg9[%dma_wait3A_95] : memref<512xi32, #tpu.memory_space<vmem>> -> memref<128xi32, #tpu.memory_space<vmem>>
    %dma_wait3A_97 = arith.constant 0 : i32
    %dma_wait3A_98 = arith.constant 0 : i32
    %dma_wait3A_99 = tpu.memref_slice %arg2[%dma_wait3A_97, %dma_wait3A_98] : memref<4096x128xf32, #tpu.memory_space<hbm>> -> memref<4096x128xf32, #tpu.memory_space<hbm>>
    tpu.wait_indirect_dma semaphore(%arg18 : memref<!tpu.dma_semaphore, #tpu.memory_space<semaphore_mem>>) src(%dma_wait3A_99 : memref<4096x128xf32, #tpu.memory_space<hbm>>) dst(%arg12 : memref<128x128xf32, #tpu.memory_space<vmem>>)
    %dma_wait3A_100 = arith.constant 256 : i32
    %dma_wait3A_101 = tpu.memref_slice %arg10[%dma_wait3A_100] : memref<512xi32, #tpu.memory_space<vmem>> -> memref<128xi32, #tpu.memory_space<vmem>>
    %dma_wait3A_102 = arith.constant 0 : i32
    %dma_wait3A_103 = arith.constant 0 : i32
    %dma_wait3A_104 = tpu.memref_slice %arg2[%dma_wait3A_102, %dma_wait3A_103] : memref<4096x128xf32, #tpu.memory_space<hbm>> -> memref<4096x128xf32, #tpu.memory_space<hbm>>
    tpu.wait_indirect_dma semaphore(%arg19 : memref<!tpu.dma_semaphore, #tpu.memory_space<semaphore_mem>>) src(%dma_wait3A_104 : memref<4096x128xf32, #tpu.memory_space<hbm>>) dst(%arg13 : memref<128x128xf32, #tpu.memory_space<vmem>>)
    %dma_wait3A_105 = arith.constant 256 : i32
    %dma_wait3A_106 = tpu.memref_slice %arg11[%dma_wait3A_105] : memref<512xi32, #tpu.memory_space<vmem>> -> memref<128xi32, #tpu.memory_space<vmem>>
    %dma_wait3A_107 = arith.constant 0 : i32
    %dma_wait3A_108 = arith.constant 0 : i32
    %dma_wait3A_109 = tpu.memref_slice %arg2[%dma_wait3A_107, %dma_wait3A_108] : memref<4096x128xf32, #tpu.memory_space<hbm>> -> memref<4096x128xf32, #tpu.memory_space<hbm>>
    tpu.wait_indirect_dma semaphore(%arg20 : memref<!tpu.dma_semaphore, #tpu.memory_space<semaphore_mem>>) src(%dma_wait3A_109 : memref<4096x128xf32, #tpu.memory_space<hbm>>) dst(%arg14 : memref<128x128xf32, #tpu.memory_space<vmem>>)
    %add3A_110 = arith.constant 256 : i32
    %add3A_111 = arith.addi %mul3A_2, %add3A_110 : i32
    "tpu.region"() ({
      %run_scoped3A = tpu.sem_alloc : memref<!tpu.dma_semaphore, #tpu.memory_space<semaphore_mem>>
      %dma_start3A_129 = arith.constant 0 : i32
      %dma_start3A_130 = tpu.memref_slice %arg6[%add3A_111, %dma_start3A_129] : memref<16384x128xf32, #tpu.memory_space<hbm>> -> memref<128x128xf32, #tpu.memory_space<hbm>>
      %dma_start3A_131 = arith.constant 0 : i32
      %dma_start3A_132 = tpu.memref_slice %arg6[%add3A_111, %dma_start3A_131] : memref<16384x128xf32, #tpu.memory_space<hbm>> -> memref<128x128xf32, #tpu.memory_space<hbm>>
      tpu.enqueue_dma source(%arg12 : memref<128x128xf32, #tpu.memory_space<vmem>>) target(%dma_start3A_132 : memref<128x128xf32, #tpu.memory_space<hbm>>) target_semaphore(%run_scoped3A : memref<!tpu.dma_semaphore, #tpu.memory_space<semaphore_mem>>)
      %dma_wait3A_133 = arith.constant 0 : i32
      %dma_wait3A_134 = tpu.memref_slice %arg6[%add3A_111, %dma_wait3A_133] : memref<16384x128xf32, #tpu.memory_space<hbm>> -> memref<128x128xf32, #tpu.memory_space<hbm>>
      %dma_wait3A_135 = arith.constant 0 : i32
      %dma_wait3A_136 = tpu.memref_slice %arg6[%add3A_111, %dma_wait3A_135] : memref<16384x128xf32, #tpu.memory_space<hbm>> -> memref<128x128xf32, #tpu.memory_space<hbm>>
      tpu.wait_dma2 semaphore(%run_scoped3A : memref<!tpu.dma_semaphore, #tpu.memory_space<semaphore_mem>>) src(%arg12 : memref<128x128xf32, #tpu.memory_space<vmem>>) dst(%dma_wait3A_136 : memref<128x128xf32, #tpu.memory_space<hbm>>)
      tpu.yield
    }) : () -> ()
    "tpu.region"() ({
      %run_scoped3A = tpu.sem_alloc : memref<!tpu.dma_semaphore, #tpu.memory_space<semaphore_mem>>
      %dma_start3A_129 = arith.constant 0 : i32
      %dma_start3A_130 = tpu.memref_slice %arg7[%add3A_111, %dma_start3A_129] : memref<16384x128xf32, #tpu.memory_space<hbm>> -> memref<128x128xf32, #tpu.memory_space<hbm>>
      %dma_start3A_131 = arith.constant 0 : i32
      %dma_start3A_132 = tpu.memref_slice %arg7[%add3A_111, %dma_start3A_131] : memref<16384x128xf32, #tpu.memory_space<hbm>> -> memref<128x128xf32, #tpu.memory_space<hbm>>
      tpu.enqueue_dma source(%arg13 : memref<128x128xf32, #tpu.memory_space<vmem>>) target(%dma_start3A_132 : memref<128x128xf32, #tpu.memory_space<hbm>>) target_semaphore(%run_scoped3A : memref<!tpu.dma_semaphore, #tpu.memory_space<semaphore_mem>>)
      %dma_wait3A_133 = arith.constant 0 : i32
      %dma_wait3A_134 = tpu.memref_slice %arg7[%add3A_111, %dma_wait3A_133] : memref<16384x128xf32, #tpu.memory_space<hbm>> -> memref<128x128xf32, #tpu.memory_space<hbm>>
      %dma_wait3A_135 = arith.constant 0 : i32
      %dma_wait3A_136 = tpu.memref_slice %arg7[%add3A_111, %dma_wait3A_135] : memref<16384x128xf32, #tpu.memory_space<hbm>> -> memref<128x128xf32, #tpu.memory_space<hbm>>
      tpu.wait_dma2 semaphore(%run_scoped3A : memref<!tpu.dma_semaphore, #tpu.memory_space<semaphore_mem>>) src(%arg13 : memref<128x128xf32, #tpu.memory_space<vmem>>) dst(%dma_wait3A_136 : memref<128x128xf32, #tpu.memory_space<hbm>>)
      tpu.yield
    }) : () -> ()
    "tpu.region"() ({
      %run_scoped3A = tpu.sem_alloc : memref<!tpu.dma_semaphore, #tpu.memory_space<semaphore_mem>>
      %dma_start3A_129 = arith.constant 0 : i32
      %dma_start3A_130 = tpu.memref_slice %arg8[%add3A_111, %dma_start3A_129] : memref<16384x128xf32, #tpu.memory_space<hbm>> -> memref<128x128xf32, #tpu.memory_space<hbm>>
      %dma_start3A_131 = arith.constant 0 : i32
      %dma_start3A_132 = tpu.memref_slice %arg8[%add3A_111, %dma_start3A_131] : memref<16384x128xf32, #tpu.memory_space<hbm>> -> memref<128x128xf32, #tpu.memory_space<hbm>>
      tpu.enqueue_dma source(%arg14 : memref<128x128xf32, #tpu.memory_space<vmem>>) target(%dma_start3A_132 : memref<128x128xf32, #tpu.memory_space<hbm>>) target_semaphore(%run_scoped3A : memref<!tpu.dma_semaphore, #tpu.memory_space<semaphore_mem>>)
      %dma_wait3A_133 = arith.constant 0 : i32
      %dma_wait3A_134 = tpu.memref_slice %arg8[%add3A_111, %dma_wait3A_133] : memref<16384x128xf32, #tpu.memory_space<hbm>> -> memref<128x128xf32, #tpu.memory_space<hbm>>
      %dma_wait3A_135 = arith.constant 0 : i32
      %dma_wait3A_136 = tpu.memref_slice %arg8[%add3A_111, %dma_wait3A_135] : memref<16384x128xf32, #tpu.memory_space<hbm>> -> memref<128x128xf32, #tpu.memory_space<hbm>>
      tpu.wait_dma2 semaphore(%run_scoped3A : memref<!tpu.dma_semaphore, #tpu.memory_space<semaphore_mem>>) src(%arg14 : memref<128x128xf32, #tpu.memory_space<vmem>>) dst(%dma_wait3A_136 : memref<128x128xf32, #tpu.memory_space<hbm>>)
      tpu.yield
    }) : () -> ()
    %dma_wait3A_112 = arith.constant 384 : i32
    %dma_wait3A_113 = tpu.memref_slice %arg9[%dma_wait3A_112] : memref<512xi32, #tpu.memory_space<vmem>> -> memref<128xi32, #tpu.memory_space<vmem>>
    %dma_wait3A_114 = arith.constant 0 : i32
    %dma_wait3A_115 = arith.constant 0 : i32
    %dma_wait3A_116 = tpu.memref_slice %arg2[%dma_wait3A_114, %dma_wait3A_115] : memref<4096x128xf32, #tpu.memory_space<hbm>> -> memref<4096x128xf32, #tpu.memory_space<hbm>>
    tpu.wait_indirect_dma semaphore(%arg21 : memref<!tpu.dma_semaphore, #tpu.memory_space<semaphore_mem>>) src(%dma_wait3A_116 : memref<4096x128xf32, #tpu.memory_space<hbm>>) dst(%arg15 : memref<128x128xf32, #tpu.memory_space<vmem>>)
    %dma_wait3A_117 = arith.constant 384 : i32
    %dma_wait3A_118 = tpu.memref_slice %arg10[%dma_wait3A_117] : memref<512xi32, #tpu.memory_space<vmem>> -> memref<128xi32, #tpu.memory_space<vmem>>
    %dma_wait3A_119 = arith.constant 0 : i32
    %dma_wait3A_120 = arith.constant 0 : i32
    %dma_wait3A_121 = tpu.memref_slice %arg2[%dma_wait3A_119, %dma_wait3A_120] : memref<4096x128xf32, #tpu.memory_space<hbm>> -> memref<4096x128xf32, #tpu.memory_space<hbm>>
    tpu.wait_indirect_dma semaphore(%arg22 : memref<!tpu.dma_semaphore, #tpu.memory_space<semaphore_mem>>) src(%dma_wait3A_121 : memref<4096x128xf32, #tpu.memory_space<hbm>>) dst(%arg16 : memref<128x128xf32, #tpu.memory_space<vmem>>)
    %dma_wait3A_122 = arith.constant 384 : i32
    %dma_wait3A_123 = tpu.memref_slice %arg11[%dma_wait3A_122] : memref<512xi32, #tpu.memory_space<vmem>> -> memref<128xi32, #tpu.memory_space<vmem>>
    %dma_wait3A_124 = arith.constant 0 : i32
    %dma_wait3A_125 = arith.constant 0 : i32
    %dma_wait3A_126 = tpu.memref_slice %arg2[%dma_wait3A_124, %dma_wait3A_125] : memref<4096x128xf32, #tpu.memory_space<hbm>> -> memref<4096x128xf32, #tpu.memory_space<hbm>>
    tpu.wait_indirect_dma semaphore(%arg23 : memref<!tpu.dma_semaphore, #tpu.memory_space<semaphore_mem>>) src(%dma_wait3A_126 : memref<4096x128xf32, #tpu.memory_space<hbm>>) dst(%arg17 : memref<128x128xf32, #tpu.memory_space<vmem>>)
    %add3A_127 = arith.constant 384 : i32
    %add3A_128 = arith.addi %mul3A_2, %add3A_127 : i32
    "tpu.region"() ({
      %run_scoped3A = tpu.sem_alloc : memref<!tpu.dma_semaphore, #tpu.memory_space<semaphore_mem>>
      %dma_start3A_129 = arith.constant 0 : i32
      %dma_start3A_130 = tpu.memref_slice %arg6[%add3A_128, %dma_start3A_129] : memref<16384x128xf32, #tpu.memory_space<hbm>> -> memref<128x128xf32, #tpu.memory_space<hbm>>
      %dma_start3A_131 = arith.constant 0 : i32
      %dma_start3A_132 = tpu.memref_slice %arg6[%add3A_128, %dma_start3A_131] : memref<16384x128xf32, #tpu.memory_space<hbm>> -> memref<128x128xf32, #tpu.memory_space<hbm>>
      tpu.enqueue_dma source(%arg15 : memref<128x128xf32, #tpu.memory_space<vmem>>) target(%dma_start3A_132 : memref<128x128xf32, #tpu.memory_space<hbm>>) target_semaphore(%run_scoped3A : memref<!tpu.dma_semaphore, #tpu.memory_space<semaphore_mem>>)
      %dma_wait3A_133 = arith.constant 0 : i32
      %dma_wait3A_134 = tpu.memref_slice %arg6[%add3A_128, %dma_wait3A_133] : memref<16384x128xf32, #tpu.memory_space<hbm>> -> memref<128x128xf32, #tpu.memory_space<hbm>>
      %dma_wait3A_135 = arith.constant 0 : i32
      %dma_wait3A_136 = tpu.memref_slice %arg6[%add3A_128, %dma_wait3A_135] : memref<16384x128xf32, #tpu.memory_space<hbm>> -> memref<128x128xf32, #tpu.memory_space<hbm>>
      tpu.wait_dma2 semaphore(%run_scoped3A : memref<!tpu.dma_semaphore, #tpu.memory_space<semaphore_mem>>) src(%arg15 : memref<128x128xf32, #tpu.memory_space<vmem>>) dst(%dma_wait3A_136 : memref<128x128xf32, #tpu.memory_space<hbm>>)
      tpu.yield
    }) : () -> ()
    "tpu.region"() ({
      %run_scoped3A = tpu.sem_alloc : memref<!tpu.dma_semaphore, #tpu.memory_space<semaphore_mem>>
      %dma_start3A_129 = arith.constant 0 : i32
      %dma_start3A_130 = tpu.memref_slice %arg7[%add3A_128, %dma_start3A_129] : memref<16384x128xf32, #tpu.memory_space<hbm>> -> memref<128x128xf32, #tpu.memory_space<hbm>>
      %dma_start3A_131 = arith.constant 0 : i32
      %dma_start3A_132 = tpu.memref_slice %arg7[%add3A_128, %dma_start3A_131] : memref<16384x128xf32, #tpu.memory_space<hbm>> -> memref<128x128xf32, #tpu.memory_space<hbm>>
      tpu.enqueue_dma source(%arg16 : memref<128x128xf32, #tpu.memory_space<vmem>>) target(%dma_start3A_132 : memref<128x128xf32, #tpu.memory_space<hbm>>) target_semaphore(%run_scoped3A : memref<!tpu.dma_semaphore, #tpu.memory_space<semaphore_mem>>)
      %dma_wait3A_133 = arith.constant 0 : i32
      %dma_wait3A_134 = tpu.memref_slice %arg7[%add3A_128, %dma_wait3A_133] : memref<16384x128xf32, #tpu.memory_space<hbm>> -> memref<128x128xf32, #tpu.memory_space<hbm>>
      %dma_wait3A_135 = arith.constant 0 : i32
      %dma_wait3A_136 = tpu.memref_slice %arg7[%add3A_128, %dma_wait3A_135] : memref<16384x128xf32, #tpu.memory_space<hbm>> -> memref<128x128xf32, #tpu.memory_space<hbm>>
      tpu.wait_dma2 semaphore(%run_scoped3A : memref<!tpu.dma_semaphore, #tpu.memory_space<semaphore_mem>>) src(%arg16 : memref<128x128xf32, #tpu.memory_space<vmem>>) dst(%dma_wait3A_136 : memref<128x128xf32, #tpu.memory_space<hbm>>)
      tpu.yield
    }) : () -> ()
    "tpu.region"() ({
      %run_scoped3A = tpu.sem_alloc : memref<!tpu.dma_semaphore, #tpu.memory_space<semaphore_mem>>
      %dma_start3A_129 = arith.constant 0 : i32
      %dma_start3A_130 = tpu.memref_slice %arg8[%add3A_128, %dma_start3A_129] : memref<16384x128xf32, #tpu.memory_space<hbm>> -> memref<128x128xf32, #tpu.memory_space<hbm>>
      %dma_start3A_131 = arith.constant 0 : i32
      %dma_start3A_132 = tpu.memref_slice %arg8[%add3A_128, %dma_start3A_131] : memref<16384x128xf32, #tpu.memory_space<hbm>> -> memref<128x128xf32, #tpu.memory_space<hbm>>
      tpu.enqueue_dma source(%arg17 : memref<128x128xf32, #tpu.memory_space<vmem>>) target(%dma_start3A_132 : memref<128x128xf32, #tpu.memory_space<hbm>>) target_semaphore(%run_scoped3A : memref<!tpu.dma_semaphore, #tpu.memory_space<semaphore_mem>>)
      %dma_wait3A_133 = arith.constant 0 : i32
      %dma_wait3A_134 = tpu.memref_slice %arg8[%add3A_128, %dma_wait3A_133] : memref<16384x128xf32, #tpu.memory_space<hbm>> -> memref<128x128xf32, #tpu.memory_space<hbm>>
      %dma_wait3A_135 = arith.constant 0 : i32
      %dma_wait3A_136 = tpu.memref_slice %arg8[%add3A_128, %dma_wait3A_135] : memref<16384x128xf32, #tpu.memory_space<hbm>> -> memref<128x128xf32, #tpu.memory_space<hbm>>
      tpu.wait_dma2 semaphore(%run_scoped3A : memref<!tpu.dma_semaphore, #tpu.memory_space<semaphore_mem>>) src(%arg17 : memref<128x128xf32, #tpu.memory_space<vmem>>) dst(%dma_wait3A_136 : memref<128x128xf32, #tpu.memory_space<hbm>>)
      tpu.yield
    }) : () -> ()
    return
  }
}

module attributes {stable_mosaic.version = 14 : i64} {
  func.func @_main_body(%arg0: i32, %arg1: i32, %arg2: memref<1x2048x3xf32, #tpu.memory_space<vmem>>, %arg3: memref<1x3x1024xf32, #tpu.memory_space<vmem>>, %arg4: memref<1x128x1024xf32, #tpu.memory_space<vmem>>, %arg5: memref<128x128xf32, #tpu.memory_space<vmem>>, %arg6: memref<128x1xf32, #tpu.memory_space<vmem>>, %arg7: memref<128x1xf32, #tpu.memory_space<vmem>>, %arg8: memref<1x128x1024xf32, #tpu.memory_space<vmem>>, %arg9: memref<1x1x1024xi32, #tpu.memory_space<vmem>>, %arg10: memref<1x1x1024xi32, #tpu.memory_space<vmem>>, %arg11: memref<1x1x1024xi32, #tpu.memory_space<vmem>>, %arg12: memref<1x1x1024xf32, #tpu.memory_space<vmem>>, %arg13: memref<1x1x1024xf32, #tpu.memory_space<vmem>>, %arg14: memref<1x1x1024xf32, #tpu.memory_space<vmem>>) attributes {dimension_semantics = [#tpu.dimension_semantics<arbitrary>, #tpu.dimension_semantics<arbitrary>], iteration_bounds = array<i64: 2, 8>, scalar_prefetch = 0 : i64, scratch_operands = 0 : i64, tpu.core_type = #tpu.core_type<tc>, window_params = [{transform_indices = @transform_0, window_bounds = array<i64: 1, 2048, 3>}, {transform_indices = @transform_1, window_bounds = array<i64: 1, 3, 1024>}, {transform_indices = @transform_2, window_bounds = array<i64: 1, 128, 1024>}, {pipeline_mode = #tpu.pipeline_mode<synchronous>, transform_indices = @transform_3, window_bounds = array<i64: 128, 128>}, {pipeline_mode = #tpu.pipeline_mode<synchronous>, transform_indices = @transform_4, window_bounds = array<i64: 128, 1>}, {pipeline_mode = #tpu.pipeline_mode<synchronous>, transform_indices = @transform_5, window_bounds = array<i64: 128, 1>}, {transform_indices = @transform_6, window_bounds = array<i64: 1, 128, 1024>}, {transform_indices = @transform_7, window_bounds = array<i64: 1, 1, 1024>}, {transform_indices = @transform_8, window_bounds = array<i64: 1, 1, 1024>}, {transform_indices = @transform_9, window_bounds = array<i64: 1, 1, 1024>}, {transform_indices = @transform_10, window_bounds = array<i64: 1, 1, 1024>}, {transform_indices = @transform_11, window_bounds = array<i64: 1, 1, 1024>}, {transform_indices = @transform_12, window_bounds = array<i64: 1, 1, 1024>}]} {
    %get3A = arith.constant 0 : index
    %get3A_0 = arith.constant 0 : index
    %get3A_1 = arith.constant 0 : index
    %get3A_2 = vector.load %arg2[%get3A, %get3A_0, %get3A_1] : memref<1x2048x3xf32, #tpu.memory_space<vmem>>, vector<1x2048x3xf32>
    %get3A_3 = vector.shape_cast %get3A_2 : vector<1x2048x3xf32> to vector<2048x3xf32>
    %get3A_4 = arith.constant 0 : index
    %get3A_5 = arith.constant 0 : index
    %get3A_6 = arith.constant 0 : index
    %get3A_7 = vector.load %arg3[%get3A_4, %get3A_5, %get3A_6] : memref<1x3x1024xf32, #tpu.memory_space<vmem>>, vector<1x3x1024xf32>
    %get3A_8 = vector.shape_cast %get3A_7 : vector<1x3x1024xf32> to vector<3x1024xf32>
    %slice3A = vector.extract_strided_slice %get3A_3 {offsets = [0, 0], sizes = [2048, 1], strides = [1, 1]} : vector<2048x3xf32> to vector<2048x1xf32>
    %slice3A_9 = vector.extract_strided_slice %get3A_8 {offsets = [0, 0], sizes = [1, 1024], strides = [1, 1]} : vector<3x1024xf32> to vector<1x1024xf32>
    %sub3A = vector.broadcast %slice3A : vector<2048x1xf32> to vector<2048x1024xf32>
    %sub3A_10 = vector.broadcast %slice3A_9 : vector<1x1024xf32> to vector<2048x1024xf32>
    %sub3A_11 = arith.subf %sub3A, %sub3A_10 : vector<2048x1024xf32>
    %mul3A = arith.mulf %sub3A_11, %sub3A_11 : vector<2048x1024xf32>
    %slice3A_12 = vector.extract_strided_slice %get3A_3 {offsets = [0, 1], sizes = [2048, 1], strides = [1, 1]} : vector<2048x3xf32> to vector<2048x1xf32>
    %slice3A_13 = vector.extract_strided_slice %get3A_8 {offsets = [1, 0], sizes = [1, 1024], strides = [1, 1]} : vector<3x1024xf32> to vector<1x1024xf32>
    %sub3A_14 = vector.broadcast %slice3A_12 : vector<2048x1xf32> to vector<2048x1024xf32>
    %sub3A_15 = vector.broadcast %slice3A_13 : vector<1x1024xf32> to vector<2048x1024xf32>
    %sub3A_16 = arith.subf %sub3A_14, %sub3A_15 : vector<2048x1024xf32>
    %mul3A_17 = arith.mulf %sub3A_16, %sub3A_16 : vector<2048x1024xf32>
    %add3A = arith.addf %mul3A, %mul3A_17 : vector<2048x1024xf32>
    %slice3A_18 = vector.extract_strided_slice %get3A_3 {offsets = [0, 2], sizes = [2048, 1], strides = [1, 1]} : vector<2048x3xf32> to vector<2048x1xf32>
    %slice3A_19 = vector.extract_strided_slice %get3A_8 {offsets = [2, 0], sizes = [1, 1024], strides = [1, 1]} : vector<3x1024xf32> to vector<1x1024xf32>
    %sub3A_20 = vector.broadcast %slice3A_18 : vector<2048x1xf32> to vector<2048x1024xf32>
    %sub3A_21 = vector.broadcast %slice3A_19 : vector<1x1024xf32> to vector<2048x1024xf32>
    %sub3A_22 = arith.subf %sub3A_20, %sub3A_21 : vector<2048x1024xf32>
    %mul3A_23 = arith.mulf %sub3A_22, %sub3A_22 : vector<2048x1024xf32>
    %add3A_24 = arith.addf %add3A, %mul3A_23 : vector<2048x1024xf32>
    %iota3A = tpu.iota {dimensions = array<i32: 0>} : vector<2048x1024xi32>
    %bitcast_convert_type3A = tpu.bitcast %add3A_24 : vector<2048x1024xf32> -> vector<2048x1024xi32>
    %and3A = arith.constant -2048 : i32
    %and3A_25 = vector.broadcast %and3A : i32 to vector<2048x1024xi32>
    %and3A_26 = arith.andi %bitcast_convert_type3A, %and3A_25 : vector<2048x1024xi32>
    %or3A = arith.ori %and3A_26, %iota3A : vector<2048x1024xi32>
    %bitcast_convert_type3A_27 = tpu.bitcast %or3A : vector<2048x1024xi32> -> vector<2048x1024xf32>
    %reduce_min3A = arith.constant dense<0x7F800000> : vector<1024xf32>
    %reduce_min3A_28 = vector.multi_reduction <minimumf>, %bitcast_convert_type3A_27, %reduce_min3A [0] : vector<2048x1024xf32> to vector<1024xf32>
    %broadcast_in_dim3A = vector.shape_cast %reduce_min3A_28 : vector<1024xf32> to vector<1x1024xf32>
    %eq3A = vector.broadcast %broadcast_in_dim3A : vector<1x1024xf32> to vector<2048x1024xf32>
    %eq3A_29 = arith.cmpf oeq, %bitcast_convert_type3A_27, %eq3A : vector<2048x1024xf32>
    %jit3A = arith.constant 0x7F800000 : f32
    %broadcast_in_dim3A_30 = vector.broadcast %jit3A : f32 to vector<2048x1024xf32>
    %select_n3A = arith.select %eq3A_29, %broadcast_in_dim3A_30, %bitcast_convert_type3A_27 : vector<2048x1024xi1>, vector<2048x1024xf32>
    %reduce_min3A_31 = arith.constant dense<0x7F800000> : vector<1024xf32>
    %reduce_min3A_32 = vector.multi_reduction <minimumf>, %select_n3A, %reduce_min3A_31 [0] : vector<2048x1024xf32> to vector<1024xf32>
    %broadcast_in_dim3A_33 = vector.shape_cast %reduce_min3A_32 : vector<1024xf32> to vector<1x1024xf32>
    %eq3A_34 = vector.broadcast %broadcast_in_dim3A_33 : vector<1x1024xf32> to vector<2048x1024xf32>
    %eq3A_35 = arith.cmpf oeq, %select_n3A, %eq3A_34 : vector<2048x1024xf32>
    %jit3A_36 = arith.constant 0x7F800000 : f32
    %broadcast_in_dim3A_37 = vector.broadcast %jit3A_36 : f32 to vector<2048x1024xf32>
    %select_n3A_38 = arith.select %eq3A_35, %broadcast_in_dim3A_37, %select_n3A : vector<2048x1024xi1>, vector<2048x1024xf32>
    %reduce_min3A_39 = arith.constant dense<0x7F800000> : vector<1024xf32>
    %reduce_min3A_40 = vector.multi_reduction <minimumf>, %select_n3A_38, %reduce_min3A_39 [0] : vector<2048x1024xf32> to vector<1024xf32>
    %broadcast_in_dim3A_41 = vector.shape_cast %reduce_min3A_40 : vector<1024xf32> to vector<1x1024xf32>
    %mul3A_42 = arith.constant 2048 : i32
    %mul3A_43 = arith.muli %arg0, %mul3A_42 : i32
    %bitcast_convert_type3A_44 = tpu.bitcast %broadcast_in_dim3A : vector<1x1024xf32> -> vector<1x1024xi32>
    %and3A_45 = arith.constant 2047 : i32
    %and3A_46 = vector.broadcast %and3A_45 : i32 to vector<1x1024xi32>
    %and3A_47 = arith.andi %bitcast_convert_type3A_44, %and3A_46 : vector<1x1024xi32>
    %add3A_48 = vector.broadcast %mul3A_43 : i32 to vector<1x1024xi32>
    %add3A_49 = arith.addi %and3A_47, %add3A_48 : vector<1x1024xi32>
    %swap3A = arith.constant 0 : index
    %swap3A_50 = arith.constant 0 : index
    %swap3A_51 = arith.constant 0 : index
    %swap3A_52 = vector.load %arg9[%swap3A, %swap3A_50, %swap3A_51] : memref<1x1x1024xi32, #tpu.memory_space<vmem>>, vector<1x1x1024xi32>
    %swap3A_53 = vector.shape_cast %swap3A_52 : vector<1x1x1024xi32> to vector<1x1024xi32>
    %swap3A_54 = vector.shape_cast %add3A_49 : vector<1x1024xi32> to vector<1x1x1024xi32>
    tpu.vector_store %arg9[%swap3A, %swap3A_50, %swap3A_51], %swap3A_54 {strides = array<i32>} : memref<1x1x1024xi32, #tpu.memory_space<vmem>>, vector<1x1x1024xi32>,
    %and3A_55 = arith.constant -2048 : i32
    %and3A_56 = vector.broadcast %and3A_55 : i32 to vector<1x1024xi32>
    %and3A_57 = arith.andi %bitcast_convert_type3A_44, %and3A_56 : vector<1x1024xi32>
    %bitcast_convert_type3A_58 = tpu.bitcast %and3A_57 : vector<1x1024xi32> -> vector<1x1024xf32>
    %sqrt3A = math.sqrt %bitcast_convert_type3A_58 : vector<1x1024xf32>
    %add3A_59 = arith.constant 9.99999993E-9 : f32
    %add3A_60 = vector.broadcast %add3A_59 : f32 to vector<1x1024xf32>
    %add3A_61 = arith.addf %sqrt3A, %add3A_60 : vector<1x1024xf32>
    %div3A = arith.constant 1.000000e+00 : f32
    %div3A_62 = vector.broadcast %div3A : f32 to vector<1x1024xf32>
    %div3A_63 = arith.divf %div3A_62, %add3A_61 : vector<1x1024xf32>
    %bitcast_convert_type3A_64 = tpu.bitcast %broadcast_in_dim3A_33 : vector<1x1024xf32> -> vector<1x1024xi32>
    %and3A_65 = arith.constant 2047 : i32
    %and3A_66 = vector.broadcast %and3A_65 : i32 to vector<1x1024xi32>
    %and3A_67 = arith.andi %bitcast_convert_type3A_64, %and3A_66 : vector<1x1024xi32>
    %add3A_68 = vector.broadcast %mul3A_43 : i32 to vector<1x1024xi32>
    %add3A_69 = arith.addi %and3A_67, %add3A_68 : vector<1x1024xi32>
    %swap3A_70 = arith.constant 0 : index
    %swap3A_71 = arith.constant 0 : index
    %swap3A_72 = arith.constant 0 : index
    %swap3A_73 = vector.load %arg10[%swap3A_70, %swap3A_71, %swap3A_72] : memref<1x1x1024xi32, #tpu.memory_space<vmem>>, vector<1x1x1024xi32>
    %swap3A_74 = vector.shape_cast %swap3A_73 : vector<1x1x1024xi32> to vector<1x1024xi32>
    %swap3A_75 = vector.shape_cast %add3A_69 : vector<1x1024xi32> to vector<1x1x1024xi32>
    tpu.vector_store %arg10[%swap3A_70, %swap3A_71, %swap3A_72], %swap3A_75 {strides = array<i32>} : memref<1x1x1024xi32, #tpu.memory_space<vmem>>, vector<1x1x1024xi32>,
    %and3A_76 = arith.constant -2048 : i32
    %and3A_77 = vector.broadcast %and3A_76 : i32 to vector<1x1024xi32>
    %and3A_78 = arith.andi %bitcast_convert_type3A_64, %and3A_77 : vector<1x1024xi32>
    %bitcast_convert_type3A_79 = tpu.bitcast %and3A_78 : vector<1x1024xi32> -> vector<1x1024xf32>
    %sqrt3A_80 = math.sqrt %bitcast_convert_type3A_79 : vector<1x1024xf32>
    %add3A_81 = arith.constant 9.99999993E-9 : f32
    %add3A_82 = vector.broadcast %add3A_81 : f32 to vector<1x1024xf32>
    %add3A_83 = arith.addf %sqrt3A_80, %add3A_82 : vector<1x1024xf32>
    %div3A_84 = arith.constant 1.000000e+00 : f32
    %div3A_85 = vector.broadcast %div3A_84 : f32 to vector<1x1024xf32>
    %div3A_86 = arith.divf %div3A_85, %add3A_83 : vector<1x1024xf32>
    %bitcast_convert_type3A_87 = tpu.bitcast %broadcast_in_dim3A_41 : vector<1x1024xf32> -> vector<1x1024xi32>
    %and3A_88 = arith.constant 2047 : i32
    %and3A_89 = vector.broadcast %and3A_88 : i32 to vector<1x1024xi32>
    %and3A_90 = arith.andi %bitcast_convert_type3A_87, %and3A_89 : vector<1x1024xi32>
    %add3A_91 = vector.broadcast %mul3A_43 : i32 to vector<1x1024xi32>
    %add3A_92 = arith.addi %and3A_90, %add3A_91 : vector<1x1024xi32>
    %swap3A_93 = arith.constant 0 : index
    %swap3A_94 = arith.constant 0 : index
    %swap3A_95 = arith.constant 0 : index
    %swap3A_96 = vector.load %arg11[%swap3A_93, %swap3A_94, %swap3A_95] : memref<1x1x1024xi32, #tpu.memory_space<vmem>>, vector<1x1x1024xi32>
    %swap3A_97 = vector.shape_cast %swap3A_96 : vector<1x1x1024xi32> to vector<1x1024xi32>
    %swap3A_98 = vector.shape_cast %add3A_92 : vector<1x1024xi32> to vector<1x1x1024xi32>
    tpu.vector_store %arg11[%swap3A_93, %swap3A_94, %swap3A_95], %swap3A_98 {strides = array<i32>} : memref<1x1x1024xi32, #tpu.memory_space<vmem>>, vector<1x1x1024xi32>,
    %and3A_99 = arith.constant -2048 : i32
    %and3A_100 = vector.broadcast %and3A_99 : i32 to vector<1x1024xi32>
    %and3A_101 = arith.andi %bitcast_convert_type3A_87, %and3A_100 : vector<1x1024xi32>
    %bitcast_convert_type3A_102 = tpu.bitcast %and3A_101 : vector<1x1024xi32> -> vector<1x1024xf32>
    %sqrt3A_103 = math.sqrt %bitcast_convert_type3A_102 : vector<1x1024xf32>
    %add3A_104 = arith.constant 9.99999993E-9 : f32
    %add3A_105 = vector.broadcast %add3A_104 : f32 to vector<1x1024xf32>
    %add3A_106 = arith.addf %sqrt3A_103, %add3A_105 : vector<1x1024xf32>
    %div3A_107 = arith.constant 1.000000e+00 : f32
    %div3A_108 = vector.broadcast %div3A_107 : f32 to vector<1x1024xf32>
    %div3A_109 = arith.divf %div3A_108, %add3A_106 : vector<1x1024xf32>
    %add3A_110 = arith.addf %div3A_63, %div3A_86 : vector<1x1024xf32>
    %add3A_111 = arith.addf %add3A_110, %div3A_109 : vector<1x1024xf32>
    %div3A_112 = arith.divf %div3A_63, %add3A_111 : vector<1x1024xf32>
    %swap3A_113 = arith.constant 0 : index
    %swap3A_114 = arith.constant 0 : index
    %swap3A_115 = arith.constant 0 : index
    %swap3A_116 = vector.load %arg12[%swap3A_113, %swap3A_114, %swap3A_115] : memref<1x1x1024xf32, #tpu.memory_space<vmem>>, vector<1x1x1024xf32>
    %swap3A_117 = vector.shape_cast %swap3A_116 : vector<1x1x1024xf32> to vector<1x1024xf32>
    %swap3A_118 = vector.shape_cast %div3A_112 : vector<1x1024xf32> to vector<1x1x1024xf32>
    tpu.vector_store %arg12[%swap3A_113, %swap3A_114, %swap3A_115], %swap3A_118 {strides = array<i32>} : memref<1x1x1024xf32, #tpu.memory_space<vmem>>, vector<1x1x1024xf32>,
    %div3A_119 = arith.divf %div3A_86, %add3A_111 : vector<1x1024xf32>
    %swap3A_120 = arith.constant 0 : index
    %swap3A_121 = arith.constant 0 : index
    %swap3A_122 = arith.constant 0 : index
    %swap3A_123 = vector.load %arg13[%swap3A_120, %swap3A_121, %swap3A_122] : memref<1x1x1024xf32, #tpu.memory_space<vmem>>, vector<1x1x1024xf32>
    %swap3A_124 = vector.shape_cast %swap3A_123 : vector<1x1x1024xf32> to vector<1x1024xf32>
    %swap3A_125 = vector.shape_cast %div3A_119 : vector<1x1024xf32> to vector<1x1x1024xf32>
    tpu.vector_store %arg13[%swap3A_120, %swap3A_121, %swap3A_122], %swap3A_125 {strides = array<i32>} : memref<1x1x1024xf32, #tpu.memory_space<vmem>>, vector<1x1x1024xf32>,
    %div3A_126 = arith.divf %div3A_109, %add3A_111 : vector<1x1024xf32>
    %swap3A_127 = arith.constant 0 : index
    %swap3A_128 = arith.constant 0 : index
    %swap3A_129 = arith.constant 0 : index
    %swap3A_130 = vector.load %arg14[%swap3A_127, %swap3A_128, %swap3A_129] : memref<1x1x1024xf32, #tpu.memory_space<vmem>>, vector<1x1x1024xf32>
    %swap3A_131 = vector.shape_cast %swap3A_130 : vector<1x1x1024xf32> to vector<1x1024xf32>
    %swap3A_132 = vector.shape_cast %div3A_126 : vector<1x1024xf32> to vector<1x1x1024xf32>
    tpu.vector_store %arg14[%swap3A_127, %swap3A_128, %swap3A_129], %swap3A_132 {strides = array<i32>} : memref<1x1x1024xf32, #tpu.memory_space<vmem>>, vector<1x1x1024xf32>,
    %get3A_133 = arith.constant 0 : index
    %get3A_134 = arith.constant 0 : index
    %get3A_135 = vector.load %arg5[%get3A_133, %get3A_134] : memref<128x128xf32, #tpu.memory_space<vmem>>, vector<128x128xf32>
    %get3A_136 = arith.constant 0 : index
    %get3A_137 = arith.constant 0 : index
    %get3A_138 = arith.constant 0 : index
    %get3A_139 = vector.load %arg4[%get3A_136, %get3A_137, %get3A_138] : memref<1x128x1024xf32, #tpu.memory_space<vmem>>, vector<1x128x1024xf32>
    %get3A_140 = vector.shape_cast %get3A_139 : vector<1x128x1024xf32> to vector<128x1024xf32>
    %dot_general3A = arith.constant dense<0.000000e+00> : vector<128x1024xf32>
    %dot_general3A_141 = tpu.matmul %get3A_135, %get3A_140, %dot_general3A {dimension_numbers = #tpu.dot_dimension_numbers<[1], [0], [0], [1], [0, 0, 1, 1], [], []>, precision = #tpu.contract_precision<fp32>, transpose_lhs_hint = false} : vector<128x128xf32>, vector<128x1024xf32>, vector<128x1024xf32> -> vector<128x1024xf32>
    %get3A_142 = arith.constant 0 : index
    %get3A_143 = arith.constant 0 : index
    %get3A_144 = vector.load %arg6[%get3A_142, %get3A_143] : memref<128x1xf32, #tpu.memory_space<vmem>>, vector<128x1xf32>
    %mul3A_145 = vector.broadcast %get3A_144 : vector<128x1xf32> to vector<128x1024xf32>
    %mul3A_146 = arith.mulf %dot_general3A_141, %mul3A_145 : vector<128x1024xf32>
    %get3A_147 = arith.constant 0 : index
    %get3A_148 = arith.constant 0 : index
    %get3A_149 = vector.load %arg7[%get3A_147, %get3A_148] : memref<128x1xf32, #tpu.memory_space<vmem>>, vector<128x1xf32>
    %add3A_150 = vector.broadcast %get3A_149 : vector<128x1xf32> to vector<128x1024xf32>
    %add3A_151 = arith.addf %mul3A_146, %add3A_150 : vector<128x1024xf32>
    %max3A = arith.constant 0.000000e+00 : f32
    %max3A_152 = vector.broadcast %max3A : f32 to vector<128x1024xf32>
    %max3A_153 = arith.maximumf %add3A_151, %max3A_152 : vector<128x1024xf32>
    %swap3A_154 = arith.constant 0 : index
    %swap3A_155 = arith.constant 0 : index
    %swap3A_156 = arith.constant 0 : index
    %swap3A_157 = vector.load %arg8[%swap3A_154, %swap3A_155, %swap3A_156] : memref<1x128x1024xf32, #tpu.memory_space<vmem>>, vector<1x128x1024xf32>
    %swap3A_158 = vector.shape_cast %swap3A_157 : vector<1x128x1024xf32> to vector<128x1024xf32>
    %swap3A_159 = vector.shape_cast %max3A_153 : vector<128x1024xf32> to vector<1x128x1024xf32>
    tpu.vector_store %arg8[%swap3A_154, %swap3A_155, %swap3A_156], %swap3A_159 {strides = array<i32>} : memref<1x128x1024xf32, #tpu.memory_space<vmem>>, vector<1x128x1024xf32>,
    return
  }
  func.func @transform_0(%arg0: i32, %arg1: i32) -> (i32, i32, i32) {
    %c0_i32 = arith.constant 0 : i32
    %c0_i32_0 = arith.constant 0 : i32
    %c0_i32_1 = arith.constant 0 : i32
    return %arg0, %c0_i32, %c0_i32_0 : i32, i32, i32
  }
  func.func @transform_1(%arg0: i32, %arg1: i32) -> (i32, i32, i32) {
    %c0_i32 = arith.constant 0 : i32
    %c0_i32_0 = arith.constant 0 : i32
    return %arg0, %c0_i32, %arg1 : i32, i32, i32
  }
  func.func @transform_2(%arg0: i32, %arg1: i32) -> (i32, i32, i32) {
    %c0_i32 = arith.constant 0 : i32
    %c0_i32_0 = arith.constant 0 : i32
    return %arg0, %c0_i32, %arg1 : i32, i32, i32
  }
  func.func @transform_3(%arg0: i32, %arg1: i32) -> (i32, i32) {
    %c0_i32 = arith.constant 0 : i32
    %c0_i32_0 = arith.constant 0 : i32
    %c0_i32_1 = arith.constant 0 : i32
    return %c0_i32, %c0_i32_0 : i32, i32
  }
  func.func @transform_4(%arg0: i32, %arg1: i32) -> (i32, i32) {
    %c0_i32 = arith.constant 0 : i32
    %c0_i32_0 = arith.constant 0 : i32
    %c0_i32_1 = arith.constant 0 : i32
    return %c0_i32, %c0_i32_0 : i32, i32
  }
  func.func @transform_5(%arg0: i32, %arg1: i32) -> (i32, i32) {
    %c0_i32 = arith.constant 0 : i32
    %c0_i32_0 = arith.constant 0 : i32
    %c0_i32_1 = arith.constant 0 : i32
    return %c0_i32, %c0_i32_0 : i32, i32
  }
  func.func @transform_6(%arg0: i32, %arg1: i32) -> (i32, i32, i32) {
    %c0_i32 = arith.constant 0 : i32
    %c0_i32_0 = arith.constant 0 : i32
    return %arg0, %c0_i32, %arg1 : i32, i32, i32
  }
  func.func @transform_7(%arg0: i32, %arg1: i32) -> (i32, i32, i32) {
    %c0_i32 = arith.constant 0 : i32
    %c0_i32_0 = arith.constant 0 : i32
    return %arg0, %c0_i32, %arg1 : i32, i32, i32
  }
  func.func @transform_8(%arg0: i32, %arg1: i32) -> (i32, i32, i32) {
    %c0_i32 = arith.constant 0 : i32
    %c0_i32_0 = arith.constant 0 : i32
    return %arg0, %c0_i32, %arg1 : i32, i32, i32
  }
  func.func @transform_9(%arg0: i32, %arg1: i32) -> (i32, i32, i32) {
    %c0_i32 = arith.constant 0 : i32
    %c0_i32_0 = arith.constant 0 : i32
    return %arg0, %c0_i32, %arg1 : i32, i32, i32
  }
  func.func @transform_10(%arg0: i32, %arg1: i32) -> (i32, i32, i32) {
    %c0_i32 = arith.constant 0 : i32
    %c0_i32_0 = arith.constant 0 : i32
    return %arg0, %c0_i32, %arg1 : i32, i32, i32
  }
  func.func @transform_11(%arg0: i32, %arg1: i32) -> (i32, i32, i32) {
    %c0_i32 = arith.constant 0 : i32
    %c0_i32_0 = arith.constant 0 : i32
    return %arg0, %c0_i32, %arg1 : i32, i32, i32
  }
  func.func @transform_12(%arg0: i32, %arg1: i32) -> (i32, i32, i32) {
    %c0_i32 = arith.constant 0 : i32
    %c0_i32_0 = arith.constant 0 : i32
    return %arg0, %c0_i32, %arg1 : i32, i32, i32
  }
}

module attributes {stable_mosaic.version = 14 : i64} {
  func.func @_prep_body(%arg0: memref<2x256x2048xf32, #tpu.memory_space<vmem>>, %arg1: memref<128x256xf32, #tpu.memory_space<vmem>>, %arg2: memref<128x1xf32, #tpu.memory_space<vmem>>, %arg3: memref<128x1xf32, #tpu.memory_space<vmem>>, %arg4: memref<2x128x8192xf32, #tpu.memory_space<vmem>>, %arg5: memref<128x128xf32, #tpu.memory_space<vmem>>, %arg6: memref<128x1xf32, #tpu.memory_space<vmem>>, %arg7: memref<128x1xf32, #tpu.memory_space<vmem>>, %arg8: memref<2x2048x128xf32, #tpu.memory_space<vmem>>, %arg9: memref<128x1xf32, #tpu.memory_space<vmem>>, %arg10: memref<128x1xf32, #tpu.memory_space<vmem>>) attributes {dimension_semantics = [], scalar_prefetch = 0 : i64, scratch_operands = 0 : i64, tpu.core_type = #tpu.core_type<tc>} {
    %get3A = arith.constant 0 : index
    %get3A_0 = arith.constant 0 : index
    %get3A_1 = vector.load %arg1[%get3A, %get3A_0] : memref<128x256xf32, #tpu.memory_space<vmem>>, vector<128x256xf32>
    %get3A_2 = arith.constant 0 : index
    %get3A_3 = arith.constant 0 : index
    %get3A_4 = arith.constant 0 : index
    %get3A_5 = vector.load %arg0[%get3A_2, %get3A_3, %get3A_4] : memref<2x256x2048xf32, #tpu.memory_space<vmem>>, vector<1x256x2048xf32>
    %get3A_6 = vector.shape_cast %get3A_5 : vector<1x256x2048xf32> to vector<256x2048xf32>
    %dot_general3A = arith.constant dense<0.000000e+00> : vector<128x2048xf32>
    %dot_general3A_7 = tpu.matmul %get3A_1, %get3A_6, %dot_general3A {dimension_numbers = #tpu.dot_dimension_numbers<[1], [0], [0], [1], [0, 0, 1, 1], [], []>, precision = #tpu.contract_precision<fp32>, transpose_lhs_hint = false} : vector<128x256xf32>, vector<256x2048xf32>, vector<128x2048xf32> -> vector<128x2048xf32>
    %get3A_8 = arith.constant 1 : index
    %get3A_9 = arith.constant 0 : index
    %get3A_10 = arith.constant 0 : index
    %get3A_11 = vector.load %arg0[%get3A_8, %get3A_9, %get3A_10] : memref<2x256x2048xf32, #tpu.memory_space<vmem>>, vector<1x256x2048xf32>
    %get3A_12 = vector.shape_cast %get3A_11 : vector<1x256x2048xf32> to vector<256x2048xf32>
    %dot_general3A_13 = arith.constant dense<0.000000e+00> : vector<128x2048xf32>
    %dot_general3A_14 = tpu.matmul %get3A_1, %get3A_12, %dot_general3A_13 {dimension_numbers = #tpu.dot_dimension_numbers<[1], [0], [0], [1], [0, 0, 1, 1], [], []>, precision = #tpu.contract_precision<fp32>, transpose_lhs_hint = false} : vector<128x256xf32>, vector<256x2048xf32>, vector<128x2048xf32> -> vector<128x2048xf32>
    %reduce_sum3A = arith.constant dense<0.000000e+00> : vector<128xf32>
    %reduce_sum3A_15 = vector.multi_reduction <add>, %dot_general3A_7, %reduce_sum3A [1] : vector<128x2048xf32> to vector<128xf32>
    %broadcast_in_dim3A = vector.shape_cast %reduce_sum3A_15 : vector<128xf32> to vector<128x1xf32>
    %add3A = arith.constant 0.000000e+00 : f32
    %add3A_16 = vector.broadcast %add3A : f32 to vector<128x1xf32>
    %add3A_17 = arith.addf %add3A_16, %broadcast_in_dim3A : vector<128x1xf32>
    %reduce_sum3A_18 = arith.constant dense<0.000000e+00> : vector<128xf32>
    %reduce_sum3A_19 = vector.multi_reduction <add>, %dot_general3A_14, %reduce_sum3A_18 [1] : vector<128x2048xf32> to vector<128xf32>
    %broadcast_in_dim3A_20 = vector.shape_cast %reduce_sum3A_19 : vector<128xf32> to vector<128x1xf32>
    %add3A_21 = arith.addf %add3A_17, %broadcast_in_dim3A_20 : vector<128x1xf32>
    %div3A = arith.constant 4.096000e+03 : f32
    %div3A_22 = vector.broadcast %div3A : f32 to vector<128x1xf32>
    %div3A_23 = arith.divf %add3A_21, %div3A_22 : vector<128x1xf32>
    %sub3A = vector.broadcast %div3A_23 : vector<128x1xf32> to vector<128x2048xf32>
    %sub3A_24 = arith.subf %dot_general3A_7, %sub3A : vector<128x2048xf32>
    %integer_pow3A = arith.mulf %sub3A_24, %sub3A_24 : vector<128x2048xf32>
    %reduce_sum3A_25 = arith.constant dense<0.000000e+00> : vector<128xf32>
    %reduce_sum3A_26 = vector.multi_reduction <add>, %integer_pow3A, %reduce_sum3A_25 [1] : vector<128x2048xf32> to vector<128xf32>
    %broadcast_in_dim3A_27 = vector.shape_cast %reduce_sum3A_26 : vector<128xf32> to vector<128x1xf32>
    %add3A_28 = arith.constant 0.000000e+00 : f32
    %add3A_29 = vector.broadcast %add3A_28 : f32 to vector<128x1xf32>
    %add3A_30 = arith.addf %add3A_29, %broadcast_in_dim3A_27 : vector<128x1xf32>
    %sub3A_31 = vector.broadcast %div3A_23 : vector<128x1xf32> to vector<128x2048xf32>
    %sub3A_32 = arith.subf %dot_general3A_14, %sub3A_31 : vector<128x2048xf32>
    %integer_pow3A_33 = arith.mulf %sub3A_32, %sub3A_32 : vector<128x2048xf32>
    %reduce_sum3A_34 = arith.constant dense<0.000000e+00> : vector<128xf32>
    %reduce_sum3A_35 = vector.multi_reduction <add>, %integer_pow3A_33, %reduce_sum3A_34 [1] : vector<128x2048xf32> to vector<128xf32>
    %broadcast_in_dim3A_36 = vector.shape_cast %reduce_sum3A_35 : vector<128xf32> to vector<128x1xf32>
    %add3A_37 = arith.addf %add3A_30, %broadcast_in_dim3A_36 : vector<128x1xf32>
    %div3A_38 = arith.constant 4.096000e+03 : f32
    %div3A_39 = vector.broadcast %div3A_38 : f32 to vector<128x1xf32>
    %div3A_40 = arith.divf %add3A_37, %div3A_39 : vector<128x1xf32>
    %get3A_41 = arith.constant 0 : index
    %get3A_42 = arith.constant 0 : index
    %get3A_43 = vector.load %arg2[%get3A_41, %get3A_42] : memref<128x1xf32, #tpu.memory_space<vmem>>, vector<128x1xf32>
    %add3A_44 = arith.constant 9.99999974E-6 : f32
    %add3A_45 = vector.broadcast %add3A_44 : f32 to vector<128x1xf32>
    %add3A_46 = arith.addf %div3A_40, %add3A_45 : vector<128x1xf32>
    %rsqrt3A = math.rsqrt %add3A_46 : vector<128x1xf32>
    %mul3A = arith.mulf %get3A_43, %rsqrt3A : vector<128x1xf32>
    %get3A_47 = arith.constant 0 : index
    %get3A_48 = arith.constant 0 : index
    %get3A_49 = vector.load %arg3[%get3A_47, %get3A_48] : memref<128x1xf32, #tpu.memory_space<vmem>>, vector<128x1xf32>
    %mul3A_50 = arith.mulf %div3A_23, %mul3A : vector<128x1xf32>
    %sub3A_51 = arith.subf %get3A_49, %mul3A_50 : vector<128x1xf32>
    %mul3A_52 = vector.broadcast %mul3A : vector<128x1xf32> to vector<128x2048xf32>
    %mul3A_53 = arith.mulf %dot_general3A_7, %mul3A_52 : vector<128x2048xf32>
    %add3A_54 = vector.broadcast %sub3A_51 : vector<128x1xf32> to vector<128x2048xf32>
    %add3A_55 = arith.addf %mul3A_53, %add3A_54 : vector<128x2048xf32>
    %max3A = arith.constant 0.000000e+00 : f32
    %max3A_56 = vector.broadcast %max3A : f32 to vector<128x2048xf32>
    %max3A_57 = arith.maximumf %add3A_55, %max3A_56 : vector<128x2048xf32>
    %transpose3A = tpu.transpose %max3A_57, [1, 0] : vector<128x2048xf32> -> vector<2048x128xf32>
    %swap3A = arith.constant 0 : index
    %swap3A_58 = arith.constant 0 : index
    %swap3A_59 = arith.constant 0 : index
    %swap3A_60 = vector.load %arg8[%swap3A, %swap3A_58, %swap3A_59] : memref<2x2048x128xf32, #tpu.memory_space<vmem>>, vector<1x2048x128xf32>
    %swap3A_61 = vector.shape_cast %swap3A_60 : vector<1x2048x128xf32> to vector<2048x128xf32>
    %swap3A_62 = vector.shape_cast %transpose3A : vector<2048x128xf32> to vector<1x2048x128xf32>
    tpu.vector_store %arg8[%swap3A, %swap3A_58, %swap3A_59], %swap3A_62 {strides = array<i32>} : memref<2x2048x128xf32, #tpu.memory_space<vmem>>, vector<1x2048x128xf32>,
    %mul3A_63 = vector.broadcast %mul3A : vector<128x1xf32> to vector<128x2048xf32>
    %mul3A_64 = arith.mulf %dot_general3A_14, %mul3A_63 : vector<128x2048xf32>
    %add3A_65 = vector.broadcast %sub3A_51 : vector<128x1xf32> to vector<128x2048xf32>
    %add3A_66 = arith.addf %mul3A_64, %add3A_65 : vector<128x2048xf32>
    %max3A_67 = arith.constant 0.000000e+00 : f32
    %max3A_68 = vector.broadcast %max3A_67 : f32 to vector<128x2048xf32>
    %max3A_69 = arith.maximumf %add3A_66, %max3A_68 : vector<128x2048xf32>
    %transpose3A_70 = tpu.transpose %max3A_69, [1, 0] : vector<128x2048xf32> -> vector<2048x128xf32>
    %swap3A_71 = arith.constant 1 : index
    %swap3A_72 = arith.constant 0 : index
    %swap3A_73 = arith.constant 0 : index
    %swap3A_74 = vector.load %arg8[%swap3A_71, %swap3A_72, %swap3A_73] : memref<2x2048x128xf32, #tpu.memory_space<vmem>>, vector<1x2048x128xf32>
    %swap3A_75 = vector.shape_cast %swap3A_74 : vector<1x2048x128xf32> to vector<2048x128xf32>
    %swap3A_76 = vector.shape_cast %transpose3A_70 : vector<2048x128xf32> to vector<1x2048x128xf32>
    tpu.vector_store %arg8[%swap3A_71, %swap3A_72, %swap3A_73], %swap3A_76 {strides = array<i32>} : memref<2x2048x128xf32, #tpu.memory_space<vmem>>, vector<1x2048x128xf32>,
    %get3A_77 = arith.constant 0 : index
    %get3A_78 = arith.constant 0 : index
    %get3A_79 = vector.load %arg5[%get3A_77, %get3A_78] : memref<128x128xf32, #tpu.memory_space<vmem>>, vector<128x128xf32>
    %get3A_80 = arith.constant 0 : index
    %get3A_81 = arith.constant 0 : index
    %get3A_82 = arith.constant 0 : index
    %get3A_83 = vector.load %arg4[%get3A_80, %get3A_81, %get3A_82] : memref<2x128x8192xf32, #tpu.memory_space<vmem>>, vector<1x128x8192xf32>
    %get3A_84 = vector.shape_cast %get3A_83 : vector<1x128x8192xf32> to vector<128x8192xf32>
    %reduce_sum3A_85 = arith.constant dense<0.000000e+00> : vector<128xf32>
    %reduce_sum3A_86 = vector.multi_reduction <add>, %get3A_84, %reduce_sum3A_85 [1] : vector<128x8192xf32> to vector<128xf32>
    %broadcast_in_dim3A_87 = vector.shape_cast %reduce_sum3A_86 : vector<128xf32> to vector<128x1xf32>
    %add3A_88 = arith.constant 0.000000e+00 : f32
    %add3A_89 = vector.broadcast %add3A_88 : f32 to vector<128x1xf32>
    %add3A_90 = arith.addf %add3A_89, %broadcast_in_dim3A_87 : vector<128x1xf32>
    %get3A_91 = arith.constant 1 : index
    %get3A_92 = arith.constant 0 : index
    %get3A_93 = arith.constant 0 : index
    %get3A_94 = vector.load %arg4[%get3A_91, %get3A_92, %get3A_93] : memref<2x128x8192xf32, #tpu.memory_space<vmem>>, vector<1x128x8192xf32>
    %get3A_95 = vector.shape_cast %get3A_94 : vector<1x128x8192xf32> to vector<128x8192xf32>
    %reduce_sum3A_96 = arith.constant dense<0.000000e+00> : vector<128xf32>
    %reduce_sum3A_97 = vector.multi_reduction <add>, %get3A_95, %reduce_sum3A_96 [1] : vector<128x8192xf32> to vector<128xf32>
    %broadcast_in_dim3A_98 = vector.shape_cast %reduce_sum3A_97 : vector<128xf32> to vector<128x1xf32>
    %add3A_99 = arith.addf %add3A_90, %broadcast_in_dim3A_98 : vector<128x1xf32>
    %div3A_100 = arith.constant 1.638400e+04 : f32
    %div3A_101 = vector.broadcast %div3A_100 : f32 to vector<128x1xf32>
    %div3A_102 = arith.divf %add3A_99, %div3A_101 : vector<128x1xf32>
    %get3A_103 = arith.constant 0 : index
    %get3A_104 = arith.constant 0 : index
    %get3A_105 = arith.constant 0 : index
    %get3A_106 = vector.load %arg4[%get3A_103, %get3A_104, %get3A_105] : memref<2x128x8192xf32, #tpu.memory_space<vmem>>, vector<1x128x8192xf32>
    %get3A_107 = vector.shape_cast %get3A_106 : vector<1x128x8192xf32> to vector<128x8192xf32>
    %get3A_108 = arith.constant 0 : index
    %get3A_109 = arith.constant 0 : index
    %get3A_110 = arith.constant 0 : index
    %get3A_111 = vector.load %arg4[%get3A_108, %get3A_109, %get3A_110] : memref<2x128x8192xf32, #tpu.memory_space<vmem>>, vector<1x128x8192xf32>
    %get3A_112 = vector.shape_cast %get3A_111 : vector<1x128x8192xf32> to vector<128x8192xf32>
    %dot_general3A_113 = arith.constant dense<0.000000e+00> : vector<128x128xf32>
    %dot_general3A_114 = tpu.matmul %get3A_107, %get3A_112, %dot_general3A_113 {dimension_numbers = #tpu.dot_dimension_numbers<[1], [1], [0], [0], [0, 0, 1, 0], [], []>, precision = #tpu.contract_precision<fp32>, transpose_lhs_hint = false} : vector<128x8192xf32>, vector<128x8192xf32>, vector<128x128xf32> -> vector<128x128xf32>
    %add3A_115 = arith.constant 0.000000e+00 : f32
    %add3A_116 = vector.broadcast %add3A_115 : f32 to vector<128x128xf32>
    %add3A_117 = arith.addf %add3A_116, %dot_general3A_114 : vector<128x128xf32>
    %get3A_118 = arith.constant 1 : index
    %get3A_119 = arith.constant 0 : index
    %get3A_120 = arith.constant 0 : index
    %get3A_121 = vector.load %arg4[%get3A_118, %get3A_119, %get3A_120] : memref<2x128x8192xf32, #tpu.memory_space<vmem>>, vector<1x128x8192xf32>
    %get3A_122 = vector.shape_cast %get3A_121 : vector<1x128x8192xf32> to vector<128x8192xf32>
    %get3A_123 = arith.constant 1 : index
    %get3A_124 = arith.constant 0 : index
    %get3A_125 = arith.constant 0 : index
    %get3A_126 = vector.load %arg4[%get3A_123, %get3A_124, %get3A_125] : memref<2x128x8192xf32, #tpu.memory_space<vmem>>, vector<1x128x8192xf32>
    %get3A_127 = vector.shape_cast %get3A_126 : vector<1x128x8192xf32> to vector<128x8192xf32>
    %dot_general3A_128 = arith.constant dense<0.000000e+00> : vector<128x128xf32>
    %dot_general3A_129 = tpu.matmul %get3A_122, %get3A_127, %dot_general3A_128 {dimension_numbers = #tpu.dot_dimension_numbers<[1], [1], [0], [0], [0, 0, 1, 0], [], []>, precision = #tpu.contract_precision<fp32>, transpose_lhs_hint = false} : vector<128x8192xf32>, vector<128x8192xf32>, vector<128x128xf32> -> vector<128x128xf32>
    %add3A_130 = arith.addf %add3A_117, %dot_general3A_129 : vector<128x128xf32>
    %dot_general3A_131 = arith.constant dense<0.000000e+00> : vector<128x1xf32>
    %dot_general3A_132 = tpu.matmul %get3A_79, %div3A_102, %dot_general3A_131 {dimension_numbers = #tpu.dot_dimension_numbers<[1], [0], [0], [1], [0, 0, 1, 1], [], []>, precision = #tpu.contract_precision<fp32>, transpose_lhs_hint = false} : vector<128x128xf32>, vector<128x1xf32>, vector<128x1xf32> -> vector<128x1xf32>
    %dot_general3A_133 = arith.constant dense<0.000000e+00> : vector<128x128xf32>
    %dot_general3A_134 = tpu.matmul %get3A_79, %add3A_130, %dot_general3A_133 {dimension_numbers = #tpu.dot_dimension_numbers<[1], [0], [0], [1], [0, 0, 1, 1], [], []>, precision = #tpu.contract_precision<fp32>, transpose_lhs_hint = false} : vector<128x128xf32>, vector<128x128xf32>, vector<128x128xf32> -> vector<128x128xf32>
    %mul3A_135 = arith.mulf %dot_general3A_134, %get3A_79 : vector<128x128xf32>
    %reduce_sum3A_136 = arith.constant dense<0.000000e+00> : vector<128xf32>
    %reduce_sum3A_137 = vector.multi_reduction <add>, %mul3A_135, %reduce_sum3A_136 [1] : vector<128x128xf32> to vector<128xf32>
    %broadcast_in_dim3A_138 = vector.shape_cast %reduce_sum3A_137 : vector<128xf32> to vector<128x1xf32>
    %div3A_139 = arith.constant 1.638400e+04 : f32
    %div3A_140 = vector.broadcast %div3A_139 : f32 to vector<128x1xf32>
    %div3A_141 = arith.divf %broadcast_in_dim3A_138, %div3A_140 : vector<128x1xf32>
    %mul3A_142 = arith.mulf %dot_general3A_132, %dot_general3A_132 : vector<128x1xf32>
    %sub3A_143 = arith.subf %div3A_141, %mul3A_142 : vector<128x1xf32>
    %get3A_144 = arith.constant 0 : index
    %get3A_145 = arith.constant 0 : index
    %get3A_146 = vector.load %arg6[%get3A_144, %get3A_145] : memref<128x1xf32, #tpu.memory_space<vmem>>, vector<128x1xf32>
    %add3A_147 = arith.constant 9.99999974E-6 : f32
    %add3A_148 = vector.broadcast %add3A_147 : f32 to vector<128x1xf32>
    %add3A_149 = arith.addf %sub3A_143, %add3A_148 : vector<128x1xf32>
    %rsqrt3A_150 = math.rsqrt %add3A_149 : vector<128x1xf32>
    %mul3A_151 = arith.mulf %get3A_146, %rsqrt3A_150 : vector<128x1xf32>
    %swap3A_152 = arith.constant 0 : index
    %swap3A_153 = arith.constant 0 : index
    %swap3A_154 = vector.load %arg9[%swap3A_152, %swap3A_153] : memref<128x1xf32, #tpu.memory_space<vmem>>, vector<128x1xf32>
    tpu.vector_store %arg9[%swap3A_152, %swap3A_153], %mul3A_151 {strides = array<i32>} : memref<128x1xf32, #tpu.memory_space<vmem>>, vector<128x1xf32>,
    %get3A_155 = arith.constant 0 : index
    %get3A_156 = arith.constant 0 : index
    %get3A_157 = vector.load %arg7[%get3A_155, %get3A_156] : memref<128x1xf32, #tpu.memory_space<vmem>>, vector<128x1xf32>
    %mul3A_158 = arith.mulf %dot_general3A_132, %mul3A_151 : vector<128x1xf32>
    %sub3A_159 = arith.subf %get3A_157, %mul3A_158 : vector<128x1xf32>
    %swap3A_160 = arith.constant 0 : index
    %swap3A_161 = arith.constant 0 : index
    %swap3A_162 = vector.load %arg10[%swap3A_160, %swap3A_161] : memref<128x1xf32, #tpu.memory_space<vmem>>, vector<128x1xf32>
    tpu.vector_store %arg10[%swap3A_160, %swap3A_161], %sub3A_159 {strides = array<i32>} : memref<128x1xf32, #tpu.memory_space<vmem>>, vector<128x1xf32>,
    return
  }
}

module attributes {stable_mosaic.version = 14 : i64} {
  func.func @_combine_body(%arg0: i32, %arg1: i32, %arg2: memref<1x128x2048xf32, #tpu.memory_space<vmem>>, %arg3: memref<1x2048x128xf32, #tpu.memory_space<vmem>>, %arg4: memref<1x2048x128xf32, #tpu.memory_space<vmem>>, %arg5: memref<1x2048x128xf32, #tpu.memory_space<vmem>>, %arg6: memref<1x2048x1xf32, #tpu.memory_space<vmem>>, %arg7: memref<1x2048x1xf32, #tpu.memory_space<vmem>>, %arg8: memref<1x2048x1xf32, #tpu.memory_space<vmem>>, %arg9: memref<1x128x2048xf32, #tpu.memory_space<vmem>>) attributes {dimension_semantics = [#tpu.dimension_semantics<arbitrary>, #tpu.dimension_semantics<arbitrary>], iteration_bounds = array<i64: 2, 4>, scalar_prefetch = 0 : i64, scratch_operands = 0 : i64, tpu.core_type = #tpu.core_type<tc>, window_params = [{transform_indices = @transform_0, window_bounds = array<i64: 1, 128, 2048>}, {transform_indices = @transform_1, window_bounds = array<i64: 1, 2048, 128>}, {transform_indices = @transform_2, window_bounds = array<i64: 1, 2048, 128>}, {transform_indices = @transform_3, window_bounds = array<i64: 1, 2048, 128>}, {transform_indices = @transform_4, window_bounds = array<i64: 1, 2048, 1>}, {transform_indices = @transform_5, window_bounds = array<i64: 1, 2048, 1>}, {transform_indices = @transform_6, window_bounds = array<i64: 1, 2048, 1>}, {transform_indices = @transform_7, window_bounds = array<i64: 1, 128, 2048>}]} {
    %get3A = arith.constant 0 : index
    %get3A_0 = arith.constant 0 : index
    %get3A_1 = arith.constant 0 : index
    %get3A_2 = vector.load %arg6[%get3A, %get3A_0, %get3A_1] : memref<1x2048x1xf32, #tpu.memory_space<vmem>>, vector<1x2048x1xf32>
    %get3A_3 = vector.shape_cast %get3A_2 : vector<1x2048x1xf32> to vector<2048x1xf32>
    %get3A_4 = arith.constant 0 : index
    %get3A_5 = arith.constant 0 : index
    %get3A_6 = arith.constant 0 : index
    %get3A_7 = vector.load %arg3[%get3A_4, %get3A_5, %get3A_6] : memref<1x2048x128xf32, #tpu.memory_space<vmem>>, vector<1x2048x128xf32>
    %get3A_8 = vector.shape_cast %get3A_7 : vector<1x2048x128xf32> to vector<2048x128xf32>
    %mul3A = vector.broadcast %get3A_3 : vector<2048x1xf32> to vector<2048x128xf32>
    %mul3A_9 = arith.mulf %mul3A, %get3A_8 : vector<2048x128xf32>
    %get3A_10 = arith.constant 0 : index
    %get3A_11 = arith.constant 0 : index
    %get3A_12 = arith.constant 0 : index
    %get3A_13 = vector.load %arg7[%get3A_10, %get3A_11, %get3A_12] : memref<1x2048x1xf32, #tpu.memory_space<vmem>>, vector<1x2048x1xf32>
    %get3A_14 = vector.shape_cast %get3A_13 : vector<1x2048x1xf32> to vector<2048x1xf32>
    %get3A_15 = arith.constant 0 : index
    %get3A_16 = arith.constant 0 : index
    %get3A_17 = arith.constant 0 : index
    %get3A_18 = vector.load %arg4[%get3A_15, %get3A_16, %get3A_17] : memref<1x2048x128xf32, #tpu.memory_space<vmem>>, vector<1x2048x128xf32>
    %get3A_19 = vector.shape_cast %get3A_18 : vector<1x2048x128xf32> to vector<2048x128xf32>
    %mul3A_20 = vector.broadcast %get3A_14 : vector<2048x1xf32> to vector<2048x128xf32>
    %mul3A_21 = arith.mulf %mul3A_20, %get3A_19 : vector<2048x128xf32>
    %add3A = arith.addf %mul3A_9, %mul3A_21 : vector<2048x128xf32>
    %get3A_22 = arith.constant 0 : index
    %get3A_23 = arith.constant 0 : index
    %get3A_24 = arith.constant 0 : index
    %get3A_25 = vector.load %arg8[%get3A_22, %get3A_23, %get3A_24] : memref<1x2048x1xf32, #tpu.memory_space<vmem>>, vector<1x2048x1xf32>
    %get3A_26 = vector.shape_cast %get3A_25 : vector<1x2048x1xf32> to vector<2048x1xf32>
    %get3A_27 = arith.constant 0 : index
    %get3A_28 = arith.constant 0 : index
    %get3A_29 = arith.constant 0 : index
    %get3A_30 = vector.load %arg5[%get3A_27, %get3A_28, %get3A_29] : memref<1x2048x128xf32, #tpu.memory_space<vmem>>, vector<1x2048x128xf32>
    %get3A_31 = vector.shape_cast %get3A_30 : vector<1x2048x128xf32> to vector<2048x128xf32>
    %mul3A_32 = vector.broadcast %get3A_26 : vector<2048x1xf32> to vector<2048x128xf32>
    %mul3A_33 = arith.mulf %mul3A_32, %get3A_31 : vector<2048x128xf32>
    %add3A_34 = arith.addf %add3A, %mul3A_33 : vector<2048x128xf32>
    %get3A_35 = arith.constant 0 : index
    %get3A_36 = arith.constant 0 : index
    %get3A_37 = arith.constant 0 : index
    %get3A_38 = vector.load %arg2[%get3A_35, %get3A_36, %get3A_37] : memref<1x128x2048xf32, #tpu.memory_space<vmem>>, vector<1x128x2048xf32>
    %get3A_39 = vector.shape_cast %get3A_38 : vector<1x128x2048xf32> to vector<128x2048xf32>
    %transpose3A = tpu.transpose %add3A_34, [1, 0] : vector<2048x128xf32> -> vector<128x2048xf32>
    %add3A_40 = arith.addf %get3A_39, %transpose3A : vector<128x2048xf32>
    %swap3A = arith.constant 0 : index
    %swap3A_41 = arith.constant 0 : index
    %swap3A_42 = arith.constant 0 : index
    %swap3A_43 = vector.load %arg9[%swap3A, %swap3A_41, %swap3A_42] : memref<1x128x2048xf32, #tpu.memory_space<vmem>>, vector<1x128x2048xf32>
    %swap3A_44 = vector.shape_cast %swap3A_43 : vector<1x128x2048xf32> to vector<128x2048xf32>
    %swap3A_45 = vector.shape_cast %add3A_40 : vector<128x2048xf32> to vector<1x128x2048xf32>
    tpu.vector_store %arg9[%swap3A, %swap3A_41, %swap3A_42], %swap3A_45 {strides = array<i32>} : memref<1x128x2048xf32, #tpu.memory_space<vmem>>, vector<1x128x2048xf32>,
    return
  }
  func.func @transform_0(%arg0: i32, %arg1: i32) -> (i32, i32, i32) {
    %c0_i32 = arith.constant 0 : i32
    %c0_i32_0 = arith.constant 0 : i32
    return %arg0, %c0_i32, %arg1 : i32, i32, i32
  }
  func.func @transform_1(%arg0: i32, %arg1: i32) -> (i32, i32, i32) {
    %c0_i32 = arith.constant 0 : i32
    %c0_i32_0 = arith.constant 0 : i32
    return %arg0, %arg1, %c0_i32 : i32, i32, i32
  }
  func.func @transform_2(%arg0: i32, %arg1: i32) -> (i32, i32, i32) {
    %c0_i32 = arith.constant 0 : i32
    %c0_i32_0 = arith.constant 0 : i32
    return %arg0, %arg1, %c0_i32 : i32, i32, i32
  }
  func.func @transform_3(%arg0: i32, %arg1: i32) -> (i32, i32, i32) {
    %c0_i32 = arith.constant 0 : i32
    %c0_i32_0 = arith.constant 0 : i32
    return %arg0, %arg1, %c0_i32 : i32, i32, i32
  }
  func.func @transform_4(%arg0: i32, %arg1: i32) -> (i32, i32, i32) {
    %c0_i32 = arith.constant 0 : i32
    %c0_i32_0 = arith.constant 0 : i32
    return %arg0, %arg1, %c0_i32 : i32, i32, i32
  }
  func.func @transform_5(%arg0: i32, %arg1: i32) -> (i32, i32, i32) {
    %c0_i32 = arith.constant 0 : i32
    %c0_i32_0 = arith.constant 0 : i32
    return %arg0, %arg1, %c0_i32 : i32, i32, i32
  }
  func.func @transform_6(%arg0: i32, %arg1: i32) -> (i32, i32, i32) {
    %c0_i32 = arith.constant 0 : i32
    %c0_i32_0 = arith.constant 0 : i32
    return %arg0, %arg1, %c0_i32 : i32, i32, i32
  }
  func.func @transform_7(%arg0: i32, %arg1: i32) -> (i32, i32, i32) {
    %c0_i32 = arith.constant 0 : i32
    %c0_i32_0 = arith.constant 0 : i32
    return %arg0, %c0_i32, %arg1 : i32, i32, i32
  }
}

</mosaic_0001>

<sc_bundles>
// kernel: kernel.6.cloned.1.call-start
scs
__scs_entry_jumppad:
0x0: {  	(pc) =	sbr.rel $0x88, $3  }
0x1: {  	(tag) =	ssettag $0x0;
	lr =	simm.s32 $0x1  }
0x2: {  	[smem:$0x3F97] =	sst lr;
	_ =	strace $0xD0000000  }
0x3: {  	_ = 	snop  }
0x4: {  	_ = 	snop  }
0x5: {  	_ = 	snop  }
0x6: {  	_ = 	snop  }
0x7: {  	_ = 	snop  }
__scs_overlays_trampoline_lowered:
0x8: {  	[smem:$0x3FA6] =	sst s0  }
0x9: {  	[smem:$0x3FA7] =	sst s1  }
0xa: {  	[smem:$0x3FA8] =	sst s2  }
0xb: {  	[smem:$0x3FA9] =	sst s3  }
0xc: {  	[smem:$0x3FAA] =	sst s4  }
0xd: {  	[smem:$0x3FAB] =	sst s5  }
0xe: {  	[smem:$0x3FAC] =	sst s6  }
0xf: {  	[smem:$0x3FAD] =	sst s7  }
0x10: {  	[smem:$0x3FAE] =	sst s8  }
0x11: {  	[smem:$0x3FAF] =	sst s9;
	s0 =	simm.s32 @!p0 $0x0  }
0x12: {  	s1 =	sld [smem:$0x3F95];
	s0 =	simm.s32 @p0 $0x1  }
0x13: {  	[smem:$0x3FB0] =	sst s0;
	s0 =	simm.s32 @!p1 $0x0  }
0x14: {  	s2 =	sld [smem:$0x3F94];
	s0 =	simm.s32 @p1 $0x1  }
0x15: {  	[smem:$0x3FB1] =	sst s0;
	s0 =	simm.s32 @!p2 $0x0  }
0x16: {  	s3 =	sld [smem:$0x3FDB];
	s0 =	simm.s32 @p2 $0x1  }
0x17: {  	s4 =	simm.s32 $0x1BF5;
	[smem:$0x3FB3] =	sst s0  }
0x18: {  	s0 =	sld [smem:$0x3F96];
	_ =	swait.ge [sflag:s4], $0x0  }
0x19: {  	s7 =	sld [smem:$0x3F97]  }
0x1a: {  	s8 =	sadd.s32 $0xFFFFE003, lr  }
0x1b: {  	s9 =	sadd.s32 $0xFFFFFEF7, lr;
	s5 =	simm.s32 $0xFFFFFFFF;
	p2 =	slt.u32 s8, $0xFFFFF086  }
0x1c: {  	p1 =	slt.u32 s9, $0xF7A;
	s5 =	simm.s32 @!p2 $0x0  }
0x1d: {  	s5 =	simm.s32 @p1 $0x1;
	p0 =	seq.s32 s7, s2  }
0x1e: {  	s7 =	smul.u32 @!p0 $0xF7A, s2;
	p2 =	seq.s32 @!p0 s5, $0x0  }
0x1f: {  	s9 =	smul.u32 $0xF7A, s1;
	s8 =	simm.s32 @!p0 $0x1BF5;
	p2 =	por !p2, p0  }
0x20: {  	[sflag:s8] =	ssyncset.s32 @!p0 $0xFFFFF086;
	s6 =	sadd.s32 @!p0 s3, s7;
	s7 =	simm.s32 @!p0 $0x108  }
0x21: {  	s3 =	sadd.s32 s3, s9;
	s6 =	sadd.s32 @!p0 $0x88, s6;
	s7 =	simm.s32 @p2 $0x1082  }
0x22: {  	[simem:s7], [sflag:s8] =	dma.local @!p0 [hbm:s6], $0xF7A  }
0x23: {  	s9 =	sor.u32 $0xD0000000, s2;
	s6 =	simm.s32 $0x108;
	_ =	swait.ge @!p0 [sflag:s8], $0x0  }
0x24: {  	s3 =	sadd.s32 $0x88, s3;
	s6 =	simm.s32 @!p1 $0x1082;
	[sflag:s4] =	ssyncset.s32 $0xFFFFF086  }
0x25: {  	[simem:s6], [sflag:s4] =	dma.local [hbm:s3], $0xF7A  }
0x26: {  	[smem:$0x3F97] =	sst s1;
	(tag) =	ssettag s2;
	_ =	strace s9  }
0x27: {  	s1 =	sld [smem:$0x3FA7]  }
0x28: {  	s2 =	sld [smem:$0x3FA8]  }
0x29: {  	s4 =	sld [smem:$0x3FAA]  }
0x2a: {  	p0 =	seq.s32 s5, $0x0;
	s5 =	sld [smem:$0x3FAB]  }
0x2b: {  	s6 =	sld [smem:$0x3FAC]  }
0x2c: {  	s7 =	sld [smem:$0x3FAD]  }
0x2d: {  	s3 =	simm.s32 $0x108;
	s8 =	sld [smem:$0x3FAE]  }
0x2e: {  	s3 =	simm.s32 @!p0 $0x1082;
	s9 =	sld [smem:$0x3FAF]  }
0x2f: {  	lr =	sadd.s32 s0, s3;
	s0 =	sld [smem:$0x3FA6]  }
0x30: {  	s3 =	sld [smem:$0x3FA9]  }
0x31: {  	[smem:$0x3FB2] =	sst s10  }
0x32: {  	s10 =	sld [smem:$0x3FB0];
	_ =	sdelay $0x3  }
0x33: {  	p0 =	seq.s32 s10, $0x1;
	s10 =	sld [smem:$0x3FB2];
	_ =	sdelay $0x3  }
0x34: {  	[smem:$0x3FB2] =	sst s10  }
0x35: {  	s10 =	sld [smem:$0x3FB1];
	_ =	sdelay $0x3  }
0x36: {  	p1 =	seq.s32 s10, $0x1;
	s10 =	sld [smem:$0x3FB2];
	_ =	sdelay $0x3  }
0x37: {  	[smem:$0x3FB2] =	sst s10  }
0x38: {  	s10 =	sld [smem:$0x3FB3]  }
0x39: {  	_ = 	snop;
	(pc) =	sbr.ind lr, $3  }
0x3a: {  	_ = 	snop  }
0x3b: {  	_ = 	snop  }
0x3c: {  	p2 =	seq.s32 s10, $0x1;
	s10 =	sld [smem:$0x3FB2]  }
0x3d: {  	_ =	shalt  }
0x3e: {  	_ =	shalt  }
0x3f: {  	_ =	shalt  }
0x40: {  	_ =	shalt  }
0x41: {  	_ =	shalt  }
0x42: {  	_ =	shalt  }
0x43: {  	_ =	shalt  }
0x44: {  	_ =	shalt  }
0x45: {  	_ =	shalt  }
0x46: {  	_ =	shalt  }
0x47: {  	_ =	shalt  }
0x48: {  	_ =	shalt  }
0x49: {  	_ =	shalt  }
0x4a: {  	_ =	shalt  }
0x4b: {  	_ =	shalt  }
0x4c: {  	_ =	shalt  }
0x4d: {  	_ =	shalt  }
0x4e: {  	_ =	shalt  }
0x4f: {  	_ =	shalt  }
0x50: {  	_ =	shalt  }
0x51: {  	_ =	shalt  }
0x52: {  	_ =	shalt  }
0x53: {  	_ =	shalt  }
0x54: {  	_ =	shalt  }
0x55: {  	_ =	shalt  }
0x56: {  	_ =	shalt  }
0x57: {  	_ =	shalt  }
0x58: {  	_ =	shalt  }
0x59: {  	_ =	shalt  }
0x5a: {  	_ =	shalt  }
0x5b: {  	_ =	shalt  }
0x5c: {  	_ =	shalt  }
0x5d: {  	_ =	shalt  }
0x5e: {  	_ =	shalt  }
0x5f: {  	_ =	shalt  }
0x60: {  	_ =	shalt  }
0x61: {  	_ =	shalt  }
0x62: {  	_ =	shalt  }
0x63: {  	_ =	shalt  }
0x64: {  	_ =	shalt  }
0x65: {  	_ =	shalt  }
0x66: {  	_ =	shalt  }
0x67: {  	_ =	shalt  }
0x68: {  	_ =	shalt  }
0x69: {  	_ =	shalt  }
0x6a: {  	_ =	shalt  }
0x6b: {  	_ =	shalt  }
0x6c: {  	_ =	shalt  }
0x6d: {  	_ =	shalt  }
0x6e: {  	_ =	shalt  }
0x6f: {  	_ =	shalt  }
0x70: {  	_ =	shalt  }
0x71: {  	_ =	shalt  }
0x72: {  	_ =	shalt  }
0x73: {  	_ =	shalt  }
0x74: {  	_ =	shalt  }
0x75: {  	_ =	shalt  }
0x76: {  	_ =	shalt  }
0x77: {  	_ =	shalt  }
0x78: {  	_ =	shalt  }
0x79: {  	_ =	shalt  }
0x7a: {  	_ =	shalt  }
0x7b: {  	_ =	shalt  }
0x7c: {  	_ =	shalt  }
0x7d: {  	_ =	shalt  }
0x7e: {  	_ =	shalt  }
0x7f: {  	_ =	shalt  }
0x80: {  	_ =	shalt  }
0x81: {  	_ =	shalt  }
0x82: {  	_ =	shalt  }
0x83: {  	_ =	shalt  }
0x84: {  	_ =	shalt  }
0x85: {  	_ =	shalt  }
0x86: {  	_ =	shalt  }
0x87: {  	_ =	shalt  }
.Lfunc_end0:
.L_simem_size_0:
called_computation_lowered:
.L_overlay_start_0:
0x88: {  	s2 =	sld [smem:$0x3FD9]  }
0x89: {  	s3 =	sld [smem:$0x3FFE];
	_ =	sdelay $0x1  }
0x8a: {  	s1 =	srdreg.scid  }
0x8b: {  	s0 =	sand.u32 $0x1, s1  }
0x8c: {  	s17 =	sshll.u32 s0, $0xA;
	s2 =	sadd.s32 s3, s2  }
0x8d: {  	s2 =	sadd.s32 s2, s17  }
0x8e: {  	[smem:$0x3FBE] =	sst s2  }
0x8f: {  	_ = 	snop  }
0x90: {  	s2 =	sld [smem:$0x3FD0];
	(tm) =	ssettm $0x1  }
0x91: {  	s18 =	sld [smem:$0x3FFB];
	_ =	sdelay $0x3  }
0x92: {  	_ =	strace s18  }
0x93: {  	s3 =	sld [smem:$0x3FFC];
	_ =	sdelay $0x3  }
0x94: {  	_ =	strace s3  }
0x95: {  	s3 =	sld [smem:$0x3FFD];
	_ =	sdelay $0x3  }
0x96: {  	_ =	strace s3  }
0x97: {  	_ =	strace $0x8FFFFFFF  }
0x98: {  	s19 =	sld [smem:$0x3FDB];
	_ =	sdelay $0x1  }
0x99: {  	s4 =	simm.s32 $_scs_section_size  }
0x9a: {  	s5 =	simm.s32 $_size__tile_overlayer_lowered;
	s6 =	simm.s32 $_tile_overlayer_lowered  }
0x9b: {  	s22 =	simm.s32 $0x1BFF;
	s21 =	sshll.u32 s6, $0x1;
	s3 =	sadd.s32 s4, s19  }
0x9c: {  	s7 =	simm.s32 $0x0;
	s20 =	sshll.u32 s5, $0x1;
	s5 =	sadd.s32 s21, s3  }
0x9d: {  	[timem:s7], [sflag:s22] =	dma.local [hbm:s5], s20  }
0x9e: {  	_ =	swait.ge [sflag:s22], s20  }
0x9f: {  	s4 =	ssub.s32 $0x0, s20;
	[sflag:s22] =	ssyncset.done $0x0  }
0xa0: {  	[sflag:s22] =	ssyncadd.s32 s4;
	_ =	sdelay $0x1  }
0xa1: {  	s23 =	simm.s32 $0x1B8B  }
0xa2: {  	_ =	swait.ge [sflag:s23], $0x1  }
0xa3: {  	[sflag:s23] =	ssyncset.done $0x0  }
0xa4: {  	s25 =	simm.s32 $0x1B8E;
	s24 =	sld [smem:$0x3FFE];
	[sflag:s23] =	ssyncadd.s32 $0xFFFFFFFF  }
0xa5: {  	s26 =	simm.s32 $execute0_lowered;
	[smem:$0x3FD2] =	sst s25  }
0xa6: {  	s5 =	sshll.u32 s26, $0x1;
	_ =	strace $0x80000046;
	[dreg:$0x1] =	wrdreg $0xFFFFFFFF  }
0xa7: {  	s28 =	simm.s32 $_size_execute0_lowered;
	s3 =	sadd.s32 s3, s5;
	[dreg:$0x0] =	wrdreg $0x0  }
0xa8: {  	s5 =	sshll.u32 s28, $0x1;
	[dreg:$0x2] =	wrdreg s3  }
0xa9: {  	[dreg:$0x3] =	wrdreg s5  }
0xaa: {  	[dreg:$0x4] =	wrdreg $0xC0  }
0xab: {  	_ =	task [dreg:s7], $0x5FFFF  }
0xac: {  	[dreg:$0x1] =	wrdreg $0xFFFFFFFF  }
0xad: {  	[dreg:$0x0] =	wrdreg $0x60  }
0xae: {  	[dreg:$0x2] =	wrdreg s24  }
0xaf: {  	[dreg:$0x3] =	wrdreg s2  }
0xb0: {  	[dreg:$0x4] =	wrdreg $0x9  }
0xb1: {  	_ =	task.clear_ibuf [dreg:s7], $0x5FFFF;
	_ =	strace $0x90000046  }
0xb2: {  	s29 =	simm.s32 $0x9;
	_ =	strace $0x80000048  }
0xb3: {  	_ =	swait.ge [sflag:s29], $0x1  }
0xb4: {  	[sflag:s29] =	ssyncadd.s32 $0xFFFFFFFF  }
0xb5: {  	_ =	strace $0x90000048  }
0xb6: {  	_ =	sfence  }
0xb7: {  	s30 =	sld [smem:$0x0];
	_ =	sdelay $0x2  }
0xb8: {  	s31 =	sshll.u32 s1, $0xD;
	s1 =	sshrl.u32 s1, $0x2  }
0xb9: {  	s3 =	sand.u32 $0x4000, s31;
	s1 =	sadd.s32 s1, s30  }
0xba: {  	s0 =	sor.u32 s3, s0;
	s1 =	sshll.u32 s1, $0x11  }
0xbb: {  	s0 =	sor.u32 s1, s0  }
0xbc: {  	s0 =	sadd.s32 $0x8F2B, s0  }
0xbd: {  	[sflag:s0] =	ssyncadd.remote.s32 $0x1  }
0xbe: {  	_ =	sfence.sel $0xFFFF  }
0xbf: {  	[dreg:$0x0] =	wrdreg $0xFFFFFFFF;
	(pc) =	sbr.abs _section_cstart, $3  }
0xc0: {  	[dreg:$0x1] =	wrdreg $0xFFFFFFFF  }
0xc1: {  	_ =	task.clear_ibuf [dreg:s7], $0x2FFFF;
	_ =	strace $0x9FFFFFFF  }
0xc2: {  	(tm) =	ssettm $0x7FFFFFFF  }
0xc3: {  	_ =	shalt  }
tec
execute0_lowered:
.L_overlay_start_1:
0x0: {  	(tag) =	ssettag $0x1  }
0x1: {  	s0 =	srdreg.scid;
	s1 =	rddreg [dreg:$0x0]  }
0x2: {  	s2 =	stileid.u32;
	s4 =	rddreg [dreg:$0x1];
	s28 =	simm.s32 $0x200  }
0x3: {  	s29 =	simm.s32 $0x400;
	s12 =	simm.s32 $0x4600;
	s11 =	simm.s32 $0x8600  }
0x4: {  	s9 =	simm.s32 $0xC600;
	s30 =	simm.s32 $0x280;
	s31 =	simm.s32 $0x480  }
0x5: {  	p0 =	por $0x0, $0x0;
	s13 =	simm.s32 $0x6;
	s0 =	sand.u32 $0x1, s0  }
0x6: {  	s2 =	sshll.u32 s2, $0xA;
	s7 =	sadd.s32 $0x12A00, s1;
	s8 =	sadd.s32 $0x52A00, s1  }
0x7: {  	s10 =	sadd.s32 $0x1200, s1;
	s3 =	sshll.u32 s0, $0x9;
	s0 =	ssub.s32 $0x2, s0  }
0x8: {  	s3 =	sor.u32 s3, s2;
	s2 =	simm.s32 $0x0;
	s23 =	sshrl.u32 s0, $0x1  }
0x9: {  	s5 =	sshrl.u32 s3, $0x3;
	[smem:$0x7FF] =	sst s2;
	s3 =	sshll.u32 s3, $0x4  }
0xa: {  	s0 =	ssub.s32 s0, s23;
	s23 =	simm.s32 $0x580;
	s15 =	sadd.s32 s4, s3  }
0xb: {  	_ =	strace $0x80000047;
	s16 =	sadd.s32 s7, s3;
	[dreg:$0x6] =	wrdreg s15  }
0xc: {  	s5 =	sadd.s32 s5, s1;
	s17 =	sadd.s32 s8, s3;
	[dreg:$0x7] =	wrdreg s16  }
0xd: {  	s18 =	sor.u32 $0x800, s3;
	s6 =	sadd.s32 $0x11200, s5;
	[dreg:$0x8] =	wrdreg s17  }
0xe: {  	s22 =	sor.u32 $0x1000, s3;
	s14 =	sadd.s32 $0x11A00, s5;
	[dreg:$0x3] =	wrdreg s6  }
0xf: {  	s3 =	sor.u32 $0x1800, s3;
	s5 =	sadd.s32 $0x12200, s5;
	[dreg:$0x4] =	wrdreg s14  }
0x10: {  	s0 =	smax.u32 s0, $0x1;
	s19 =	sadd.s32 s4, s18;
	[dreg:$0x5] =	wrdreg s5  }
0x11: {  	s20 =	sadd.s32 s7, s18;
	s21 =	sadd.s32 s8, s18;
	[dreg:$0x9] =	wrdreg s19  }
0x12: {  	s24 =	sadd.s32 s4, s22;
	s25 =	sadd.s32 s7, s22;
	[dreg:$0xa] =	wrdreg s20  }
0x13: {  	s26 =	sadd.s32 s8, s22;
	s17 =	simm.s32 $0x80;
	[dreg:$0xb] =	wrdreg s21  }
0x14: {  	s15 =	simm.s32 $0x600;
	s18 =	simm.s32 $0x3;
	[dreg:$0xc] =	wrdreg s24  }
0x15: {  	p1 =	sne.s32 s0, $0x1;
	s1 =	sadd.s32 $0xFFFFFFFF, s0;
	[dreg:$0xd] =	wrdreg s25  }
0x16: {  	s16 =	simm.s32 $0x4;
	s22 =	simm.s32 $0x380;
	[dreg:$0xe] =	wrdreg s26  }
.Ltmp0:
0x17: {  	s6 =	sadd.s32 s4, s3;
	s5 =	sadd.s32 s7, s3;
	(pc) =	sbr.rel @!p1 .LBB2_3-.Ltmp0, $4  }
0x18: {  	s4 =	sadd.s32 s8, s3;
	s3 =	simm.s32 $0x7;
	s8 =	simm.s32 $0x10600  }
0x19: {  	s7 =	simm.s32 $0x14600;
	s20 =	simm.s32 $0x1;
	s19 =	simm.s32 $0x2  }
0x1a: {  	s24 =	simm.s32 $0x100;
	s25 =	simm.s32 $0x300;
	s26 =	simm.s32 $0x500  }
0x1b: {  	s14 =	simm.s32 $0x5;
	s21 =	simm.s32 $0x180;
	s0 =	rddreg [dreg:$0x3]  }
0x1c: {  	[tilespmem:s2], [sflag:$0x7] =	stream.linear.gather [hbm4b:s0+s2], $0x200, $0x38;
	[tilespmem:$0x18600] =	vst v63  }
0x1d: {  	_ =	swait.ge [sflag:s3], $0x200  }
0x1e: {  	[sflag:s3] =	ssyncset.done $0x0  }
0x1f: {  	s0 =	rddreg [dreg:$0x4];
	[sflag:s3] =	ssyncadd.s32 $0xFFFFFE00  }
0x20: {  	[tilespmem:s28], [sflag:$0x7] =	stream.linear.gather [hbm4b:s0+s2], $0x200, $0x38;
	[tilespmem:$0x18600] =	vst v63  }
0x21: {  	_ =	swait.ge [sflag:s3], $0x200  }
0x22: {  	[sflag:s3] =	ssyncset.done $0x0  }
0x23: {  	s0 =	rddreg [dreg:$0x5];
	[sflag:s3] =	ssyncadd.s32 $0xFFFFFE00  }
0x24: {  	[tilespmem:s29], [sflag:$0x7] =	stream.linear.gather [hbm4b:s0+s2], $0x200, $0x38;
	[tilespmem:$0x18600] =	vst v63  }
0x25: {  	_ =	swait.ge [sflag:s3], $0x200  }
0x26: {  	[sflag:s3] =	ssyncset.done $0x0  }
0x27: {  	[sflag:s3] =	ssyncadd.s32 $0xFFFFFE00  }
0x28: {  	[tilespmem:s15], [sflag:$0x1] =	stream.indirect.gather [hbm4b:s10+s17], $0x80, s2, s17, $0xb8;
	[tilespmem:$0x18600] =	vst v63  }
0x29: {  	_ = 	snop  }
0x2a: {  	[tilespmem:s12], [sflag:$0x2] =	stream.indirect.gather [hbm4b:s10+s17], $0x80, s28, s17, $0xb8;
	[tilespmem:$0x18600] =	vst v63  }
0x2b: {  	_ = 	snop  }
0x2c: {  	[tilespmem:s11], [sflag:$0x3] =	stream.indirect.gather [hbm4b:s10+s17], $0x80, s29, s17, $0xb8;
	[tilespmem:$0x18600] =	vst v63  }
0x2d: {  	_ = 	snop  }
0x2e: {  	[tilespmem:s9], [sflag:$0x4] =	stream.indirect.gather [hbm4b:s10+s17], $0x80, s17, s17, $0xb8;
	[tilespmem:$0x18600] =	vst v63  }
0x2f: {  	_ = 	snop  }
0x30: {  	[tilespmem:s8], [sflag:$0x5] =	stream.indirect.gather [hbm4b:s10+s17], $0x80, s30, s17, $0xb8;
	[tilespmem:$0x18600] =	vst v63  }
0x31: {  	_ = 	snop  }
0x32: {  	[tilespmem:s7], [sflag:$0x6] =	stream.indirect.gather [hbm4b:s10+s17], $0x80, s31, s17, $0xb8;
	[tilespmem:$0x18600] =	vst v63  }
0x33: {  	_ =	swait.ge [sflag:s20], $0x4000  }
0x34: {  	[sflag:s20] =	ssyncset.done $0x0  }
0x35: {  	[sflag:s20] =	ssyncadd.s32 $0xFFFFC000  }
0x36: {  	_ =	swait.ge [sflag:s19], $0x4000  }
0x37: {  	[sflag:s19] =	ssyncset.done $0x0  }
0x38: {  	[sflag:s19] =	ssyncadd.s32 $0xFFFFC000  }
0x39: {  	_ =	swait.ge [sflag:s18], $0x4000  }
0x3a: {  	[sflag:s18] =	ssyncset.done $0x0  }
0x3b: {  	s0 =	rddreg [dreg:$0x6];
	[sflag:s18] =	ssyncadd.s32 $0xFFFFC000  }
0x3c: {  	[hbm4b:s0+s2] =	stream.linear.scatter [tilespmem:s15], [sflag:$0x7], $0x4000, $0x38;
	[tilespmem:$0x18600] =	vst v63  }
0x3d: {  	_ =	swait.ge [sflag:s3], $0x4000  }
0x3e: {  	[sflag:s3] =	ssyncset.done $0x0  }
0x3f: {  	s0 =	rddreg [dreg:$0x7];
	[sflag:s3] =	ssyncadd.s32 $0xFFFFC000  }
0x40: {  	[hbm4b:s0+s2] =	stream.linear.scatter [tilespmem:s12], [sflag:$0x7], $0x4000, $0x38;
	[tilespmem:$0x18600] =	vst v63  }
0x41: {  	_ =	swait.ge [sflag:s3], $0x4000  }
0x42: {  	[sflag:s3] =	ssyncset.done $0x0  }
0x43: {  	s0 =	rddreg [dreg:$0x8];
	[sflag:s3] =	ssyncadd.s32 $0xFFFFC000  }
0x44: {  	[hbm4b:s0+s2] =	stream.linear.scatter [tilespmem:s11], [sflag:$0x7], $0x4000, $0x38;
	[tilespmem:$0x18600] =	vst v63  }
0x45: {  	_ =	swait.ge [sflag:s3], $0x4000  }
0x46: {  	[sflag:s3] =	ssyncset.done $0x0  }
0x47: {  	[sflag:s3] =	ssyncadd.s32 $0xFFFFC000  }
0x48: {  	[tilespmem:s15], [sflag:$0x1] =	stream.indirect.gather [hbm4b:s10+s17], $0x80, s24, s17, $0xb8;
	[tilespmem:$0x18600] =	vst v63  }
0x49: {  	_ = 	snop  }
0x4a: {  	[tilespmem:s12], [sflag:$0x2] =	stream.indirect.gather [hbm4b:s10+s17], $0x80, s25, s17, $0xb8;
	[tilespmem:$0x18600] =	vst v63  }
0x4b: {  	_ = 	snop  }
0x4c: {  	[tilespmem:s11], [sflag:$0x3] =	stream.indirect.gather [hbm4b:s10+s17], $0x80, s26, s17, $0xb8;
	[tilespmem:$0x18600] =	vst v63  }
0x4d: {  	_ =	swait.ge [sflag:s16], $0x4000  }
0x4e: {  	[sflag:s16] =	ssyncset.done $0x0  }
0x4f: {  	[sflag:s16] =	ssyncadd.s32 $0xFFFFC000  }
0x50: {  	_ =	swait.ge [sflag:s14], $0x4000  }
0x51: {  	[sflag:s14] =	ssyncset.done $0x0  }
0x52: {  	[sflag:s14] =	ssyncadd.s32 $0xFFFFC000  }
0x53: {  	_ =	swait.ge [sflag:s13], $0x4000  }
0x54: {  	[sflag:s13] =	ssyncset.done $0x0  }
0x55: {  	s0 =	rddreg [dreg:$0x9];
	[sflag:s13] =	ssyncadd.s32 $0xFFFFC000  }
0x56: {  	[hbm4b:s0+s2] =	stream.linear.scatter [tilespmem:s9], [sflag:$0x7], $0x4000, $0x38;
	[tilespmem:$0x18600] =	vst v63  }
0x57: {  	_ =	swait.ge [sflag:s3], $0x4000  }
0x58: {  	[sflag:s3] =	ssyncset.done $0x0  }
0x59: {  	s0 =	rddreg [dreg:$0xa];
	[sflag:s3] =	ssyncadd.s32 $0xFFFFC000  }
0x5a: {  	[hbm4b:s0+s2] =	stream.linear.scatter [tilespmem:s8], [sflag:$0x7], $0x4000, $0x38;
	[tilespmem:$0x18600] =	vst v63  }
0x5b: {  	_ =	swait.ge [sflag:s3], $0x4000  }
0x5c: {  	[sflag:s3] =	ssyncset.done $0x0  }
0x5d: {  	s0 =	rddreg [dreg:$0xb];
	[sflag:s3] =	ssyncadd.s32 $0xFFFFC000  }
0x5e: {  	[hbm4b:s0+s2] =	stream.linear.scatter [tilespmem:s7], [sflag:$0x7], $0x4000, $0x38;
	[tilespmem:$0x18600] =	vst v63  }
0x5f: {  	_ =	swait.ge [sflag:s3], $0x4000  }
0x60: {  	[sflag:s3] =	ssyncset.done $0x0  }
0x61: {  	[sflag:s3] =	ssyncadd.s32 $0xFFFFC000  }
0x62: {  	[tilespmem:s9], [sflag:$0x4] =	stream.indirect.gather [hbm4b:s10+s17], $0x80, s21, s17, $0xb8;
	[tilespmem:$0x18600] =	vst v63  }
0x63: {  	_ = 	snop  }
0x64: {  	[tilespmem:s8], [sflag:$0x5] =	stream.indirect.gather [hbm4b:s10+s17], $0x80, s22, s17, $0xb8;
	[tilespmem:$0x18600] =	vst v63  }
0x65: {  	_ = 	snop  }
0x66: {  	[tilespmem:s7], [sflag:$0x6] =	stream.indirect.gather [hbm4b:s10+s17], $0x80, s23, s17, $0xb8;
	[tilespmem:$0x18600] =	vst v63  }
0x67: {  	_ =	swait.ge [sflag:s20], $0x4000  }
0x68: {  	[sflag:s20] =	ssyncset.done $0x0  }
0x69: {  	[sflag:s20] =	ssyncadd.s32 $0xFFFFC000  }
0x6a: {  	_ =	swait.ge [sflag:s19], $0x4000  }
0x6b: {  	[sflag:s19] =	ssyncset.done $0x0  }
0x6c: {  	[sflag:s19] =	ssyncadd.s32 $0xFFFFC000  }
0x6d: {  	_ =	swait.ge [sflag:s18], $0x4000  }
0x6e: {  	[sflag:s18] =	ssyncset.done $0x0  }
0x6f: {  	s0 =	rddreg [dreg:$0xc];
	[sflag:s18] =	ssyncadd.s32 $0xFFFFC000  }
0x70: {  	[hbm4b:s0+s2] =	stream.linear.scatter [tilespmem:s15], [sflag:$0x7], $0x4000, $0x38;
	[tilespmem:$0x18600] =	vst v63  }
0x71: {  	_ =	swait.ge [sflag:s3], $0x4000  }
0x72: {  	[sflag:s3] =	ssyncset.done $0x0  }
0x73: {  	s0 =	rddreg [dreg:$0xd];
	[sflag:s3] =	ssyncadd.s32 $0xFFFFC000  }
0x74: {  	[hbm4b:s0+s2] =	stream.linear.scatter [tilespmem:s12], [sflag:$0x7], $0x4000, $0x38;
	[tilespmem:$0x18600] =	vst v63  }
0x75: {  	_ =	swait.ge [sflag:s3], $0x4000  }
0x76: {  	[sflag:s3] =	ssyncset.done $0x0  }
0x77: {  	s0 =	rddreg [dreg:$0xe];
	[sflag:s3] =	ssyncadd.s32 $0xFFFFC000  }
0x78: {  	[hbm4b:s0+s2] =	stream.linear.scatter [tilespmem:s11], [sflag:$0x7], $0x4000, $0x38;
	[tilespmem:$0x18600] =	vst v63  }
0x79: {  	_ =	swait.ge [sflag:s3], $0x4000  }
0x7a: {  	[sflag:s3] =	ssyncset.done $0x0  }
0x7b: {  	[sflag:s3] =	ssyncadd.s32 $0xFFFFC000  }
0x7c: {  	_ =	swait.ge [sflag:s16], $0x4000  }
0x7d: {  	[sflag:s16] =	ssyncset.done $0x0  }
0x7e: {  	[sflag:s16] =	ssyncadd.s32 $0xFFFFC000  }
0x7f: {  	_ =	swait.ge [sflag:s14], $0x4000  }
0x80: {  	[sflag:s14] =	ssyncset.done $0x0  }
0x81: {  	[sflag:s14] =	ssyncadd.s32 $0xFFFFC000  }
0x82: {  	_ =	swait.ge [sflag:s13], $0x4000  }
0x83: {  	[sflag:s13] =	ssyncset.done $0x0  }
0x84: {  	[sflag:s13] =	ssyncadd.s32 $0xFFFFC000  }
0x85: {  	[hbm4b:s6+s2] =	stream.linear.scatter [tilespmem:s9], [sflag:$0x7], $0x4000, $0x38;
	[tilespmem:$0x18600] =	vst v63  }
0x86: {  	_ =	swait.ge [sflag:s3], $0x4000  }
0x87: {  	[sflag:s3] =	ssyncset.done $0x0  }
0x88: {  	[sflag:s3] =	ssyncadd.s32 $0xFFFFC000  }
0x89: {  	[hbm4b:s5+s2] =	stream.linear.scatter [tilespmem:s8], [sflag:$0x7], $0x4000, $0x38;
	[tilespmem:$0x18600] =	vst v63  }
0x8a: {  	p1 =	sne.s32 s1, $0x1;
	_ =	swait.ge [sflag:s3], $0x4000  }
.Ltmp1:
0x8b: {  	[sflag:s3] =	ssyncset.done $0x0;
	(pc) =	sbr.rel @!p1 .LBB2_3-.Ltmp1, $4  }
0x8c: {  	[sflag:s3] =	ssyncadd.s32 $0xFFFFC000  }
0x8d: {  	[hbm4b:s4+s2] =	stream.linear.scatter [tilespmem:s7], [sflag:$0x7], $0x4000, $0x38;
	[tilespmem:$0x18600] =	vst v63  }
0x8e: {  	s1 =	sadd.s32 $0xFFFFFFFF, s1;
	_ =	swait.ge [sflag:s3], $0x4000  }
0x8f: {  	p0 =	por $0x1, $0x1;
	s0 =	rddreg [dreg:$0x3];
	[sflag:s3] =	ssyncset.done $0x0  }
.LBB2_2:
0x90: {  	[sflag:s3] =	ssyncadd.s32 $0xFFFFC000  }
0x91: {  	[tilespmem:s2], [sflag:$0x7] =	stream.linear.gather [hbm4b:s0+s2], $0x200, $0x38;
	[tilespmem:$0x18600] =	vst v63  }
0x92: {  	_ =	swait.ge [sflag:s3], $0x200  }
0x93: {  	[sflag:s3] =	ssyncset.done $0x0  }
0x94: {  	s0 =	rddreg [dreg:$0x4];
	[sflag:s3] =	ssyncadd.s32 $0xFFFFFE00  }
0x95: {  	[tilespmem:s28], [sflag:$0x7] =	stream.linear.gather [hbm4b:s0+s2], $0x200, $0x38;
	[tilespmem:$0x18600] =	vst v63  }
0x96: {  	_ =	swait.ge [sflag:s3], $0x200  }
0x97: {  	[sflag:s3] =	ssyncset.done $0x0  }
0x98: {  	s0 =	rddreg [dreg:$0x5];
	[sflag:s3] =	ssyncadd.s32 $0xFFFFFE00  }
0x99: {  	[tilespmem:s29], [sflag:$0x7] =	stream.linear.gather [hbm4b:s0+s2], $0x200, $0x38;
	[tilespmem:$0x18600] =	vst v63  }
0x9a: {  	_ =	swait.ge [sflag:s3], $0x200  }
0x9b: {  	[sflag:s3] =	ssyncset.done $0x0  }
0x9c: {  	[sflag:s3] =	ssyncadd.s32 $0xFFFFFE00  }
0x9d: {  	[tilespmem:s15], [sflag:$0x1] =	stream.indirect.gather [hbm4b:s10+s17], $0x80, s2, s17, $0xb8;
	[tilespmem:$0x18600] =	vst v63  }
0x9e: {  	_ = 	snop  }
0x9f: {  	[tilespmem:s12], [sflag:$0x2] =	stream.indirect.gather [hbm4b:s10+s17], $0x80, s28, s17, $0xb8;
	[tilespmem:$0x18600] =	vst v63  }
0xa0: {  	_ = 	snop  }
0xa1: {  	[tilespmem:s11], [sflag:$0x3] =	stream.indirect.gather [hbm4b:s10+s17], $0x80, s29, s17, $0xb8;
	[tilespmem:$0x18600] =	vst v63  }
0xa2: {  	_ = 	snop  }
0xa3: {  	[tilespmem:s9], [sflag:$0x4] =	stream.indirect.gather [hbm4b:s10+s17], $0x80, s17, s17, $0xb8;
	[tilespmem:$0x18600] =	vst v63  }
0xa4: {  	_ = 	snop  }
0xa5: {  	[tilespmem:s8], [sflag:$0x5] =	stream.indirect.gather [hbm4b:s10+s17], $0x80, s30, s17, $0xb8;
	[tilespmem:$0x18600] =	vst v63  }
0xa6: {  	_ = 	snop  }
0xa7: {  	[tilespmem:s7], [sflag:$0x6] =	stream.indirect.gather [hbm4b:s10+s17], $0x80, s31, s17, $0xb8;
	[tilespmem:$0x18600] =	vst v63  }
0xa8: {  	_ =	swait.ge [sflag:s20], $0x4000  }
0xa9: {  	[sflag:s20] =	ssyncset.done $0x0  }
0xaa: {  	[sflag:s20] =	ssyncadd.s32 $0xFFFFC000  }
0xab: {  	_ =	swait.ge [sflag:s19], $0x4000  }
0xac: {  	[sflag:s19] =	ssyncset.done $0x0  }
0xad: {  	[sflag:s19] =	ssyncadd.s32 $0xFFFFC000  }
0xae: {  	_ =	swait.ge [sflag:s18], $0x4000  }
0xaf: {  	[sflag:s18] =	ssyncset.done $0x0  }
0xb0: {  	s0 =	rddreg [dreg:$0x6];
	[sflag:s18] =	ssyncadd.s32 $0xFFFFC000  }
0xb1: {  	[hbm4b:s0+s2] =	stream.linear.scatter [tilespmem:s15], [sflag:$0x7], $0x4000, $0x38;
	[tilespmem:$0x18600] =	vst v63  }
0xb2: {  	_ =	swait.ge [sflag:s3], $0x4000  }
0xb3: {  	[sflag:s3] =	ssyncset.done $0x0  }
0xb4: {  	s0 =	rddreg [dreg:$0x7];
	[sflag:s3] =	ssyncadd.s32 $0xFFFFC000  }
0xb5: {  	[hbm4b:s0+s2] =	stream.linear.scatter [tilespmem:s12], [sflag:$0x7], $0x4000, $0x38;
	[tilespmem:$0x18600] =	vst v63  }
0xb6: {  	_ =	swait.ge [sflag:s3], $0x4000  }
0xb7: {  	[sflag:s3] =	ssyncset.done $0x0  }
0xb8: {  	s0 =	rddreg [dreg:$0x8];
	[sflag:s3] =	ssyncadd.s32 $0xFFFFC000  }
0xb9: {  	[hbm4b:s0+s2] =	stream.linear.scatter [tilespmem:s11], [sflag:$0x7], $0x4000, $0x38;
	[tilespmem:$0x18600] =	vst v63  }
0xba: {  	_ =	swait.ge [sflag:s3], $0x4000  }
0xbb: {  	[sflag:s3] =	ssyncset.done $0x0  }
0xbc: {  	[sflag:s3] =	ssyncadd.s32 $0xFFFFC000  }
0xbd: {  	[tilespmem:s15], [sflag:$0x1] =	stream.indirect.gather [hbm4b:s10+s17], $0x80, s24, s17, $0xb8;
	[tilespmem:$0x18600] =	vst v63  }
0xbe: {  	_ = 	snop  }
0xbf: {  	[tilespmem:s12], [sflag:$0x2] =	stream.indirect.gather [hbm4b:s10+s17], $0x80, s25, s17, $0xb8;
	[tilespmem:$0x18600] =	vst v63  }
0xc0: {  	_ = 	snop  }
0xc1: {  	[tilespmem:s11], [sflag:$0x3] =	stream.indirect.gather [hbm4b:s10+s17], $0x80, s26, s17, $0xb8;
	[tilespmem:$0x18600] =	vst v63  }
0xc2: {  	_ =	swait.ge [sflag:s16], $0x4000  }
0xc3: {  	[sflag:s16] =	ssyncset.done $0x0  }
0xc4: {  	[sflag:s16] =	ssyncadd.s32 $0xFFFFC000  }
0xc5: {  	_ =	swait.ge [sflag:s14], $0x4000  }
0xc6: {  	[sflag:s14] =	ssyncset.done $0x0  }
0xc7: {  	[sflag:s14] =	ssyncadd.s32 $0xFFFFC000  }
0xc8: {  	_ =	swait.ge [sflag:s13], $0x4000  }
0xc9: {  	[sflag:s13] =	ssyncset.done $0x0  }
0xca: {  	s0 =	rddreg [dreg:$0x9];
	[sflag:s13] =	ssyncadd.s32 $0xFFFFC000  }
0xcb: {  	[hbm4b:s0+s2] =	stream.linear.scatter [tilespmem:s9], [sflag:$0x7], $0x4000, $0x38;
	[tilespmem:$0x18600] =	vst v63  }
0xcc: {  	_ =	swait.ge [sflag:s3], $0x4000  }
0xcd: {  	[sflag:s3] =	ssyncset.done $0x0  }
0xce: {  	s0 =	rddreg [dreg:$0xa];
	[sflag:s3] =	ssyncadd.s32 $0xFFFFC000  }
0xcf: {  	[hbm4b:s0+s2] =	stream.linear.scatter [tilespmem:s8], [sflag:$0x7], $0x4000, $0x38;
	[tilespmem:$0x18600] =	vst v63  }
0xd0: {  	_ =	swait.ge [sflag:s3], $0x4000  }
0xd1: {  	[sflag:s3] =	ssyncset.done $0x0  }
0xd2: {  	s0 =	rddreg [dreg:$0xb];
	[sflag:s3] =	ssyncadd.s32 $0xFFFFC000  }
0xd3: {  	[hbm4b:s0+s2] =	stream.linear.scatter [tilespmem:s7], [sflag:$0x7], $0x4000, $0x38;
	[tilespmem:$0x18600] =	vst v63  }
0xd4: {  	_ =	swait.ge [sflag:s3], $0x4000  }
0xd5: {  	[sflag:s3] =	ssyncset.done $0x0  }
0xd6: {  	[sflag:s3] =	ssyncadd.s32 $0xFFFFC000  }
0xd7: {  	[tilespmem:s9], [sflag:$0x4] =	stream.indirect.gather [hbm4b:s10+s17], $0x80, s21, s17, $0xb8;
	[tilespmem:$0x18600] =	vst v63  }
0xd8: {  	_ = 	snop  }
0xd9: {  	[tilespmem:s8], [sflag:$0x5] =	stream.indirect.gather [hbm4b:s10+s17], $0x80, s22, s17, $0xb8;
	[tilespmem:$0x18600] =	vst v63  }
0xda: {  	_ = 	snop  }
0xdb: {  	[tilespmem:s7], [sflag:$0x6] =	stream.indirect.gather [hbm4b:s10+s17], $0x80, s23, s17, $0xb8;
	[tilespmem:$0x18600] =	vst v63  }
0xdc: {  	_ =	swait.ge [sflag:s20], $0x4000  }
0xdd: {  	[sflag:s20] =	ssyncset.done $0x0  }
0xde: {  	[sflag:s20] =	ssyncadd.s32 $0xFFFFC000  }
0xdf: {  	_ =	swait.ge [sflag:s19], $0x4000  }
0xe0: {  	[sflag:s19] =	ssyncset.done $0x0  }
0xe1: {  	[sflag:s19] =	ssyncadd.s32 $0xFFFFC000  }
0xe2: {  	_ =	swait.ge [sflag:s18], $0x4000  }
0xe3: {  	[sflag:s18] =	ssyncset.done $0x0  }
0xe4: {  	s0 =	rddreg [dreg:$0xc];
	[sflag:s18] =	ssyncadd.s32 $0xFFFFC000  }
0xe5: {  	[hbm4b:s0+s2] =	stream.linear.scatter [tilespmem:s15], [sflag:$0x7], $0x4000, $0x38;
	[tilespmem:$0x18600] =	vst v63  }
0xe6: {  	_ =	swait.ge [sflag:s3], $0x4000  }
0xe7: {  	[sflag:s3] =	ssyncset.done $0x0  }
0xe8: {  	s0 =	rddreg [dreg:$0xd];
	[sflag:s3] =	ssyncadd.s32 $0xFFFFC000  }
0xe9: {  	[hbm4b:s0+s2] =	stream.linear.scatter [tilespmem:s12], [sflag:$0x7], $0x4000, $0x38;
	[tilespmem:$0x18600] =	vst v63  }
0xea: {  	_ =	swait.ge [sflag:s3], $0x4000  }
0xeb: {  	[sflag:s3] =	ssyncset.done $0x0  }
0xec: {  	s0 =	rddreg [dreg:$0xe];
	[sflag:s3] =	ssyncadd.s32 $0xFFFFC000  }
0xed: {  	[hbm4b:s0+s2] =	stream.linear.scatter [tilespmem:s11], [sflag:$0x7], $0x4000, $0x38;
	[tilespmem:$0x18600] =	vst v63  }
0xee: {  	_ =	swait.ge [sflag:s3], $0x4000  }
0xef: {  	[sflag:s3] =	ssyncset.done $0x0  }
0xf0: {  	[sflag:s3] =	ssyncadd.s32 $0xFFFFC000  }
0xf1: {  	_ =	swait.ge [sflag:s16], $0x4000  }
0xf2: {  	[sflag:s16] =	ssyncset.done $0x0  }
0xf3: {  	[sflag:s16] =	ssyncadd.s32 $0xFFFFC000  }
0xf4: {  	_ =	swait.ge [sflag:s14], $0x4000  }
0xf5: {  	[sflag:s14] =	ssyncset.done $0x0  }
0xf6: {  	[sflag:s14] =	ssyncadd.s32 $0xFFFFC000  }
0xf7: {  	_ =	swait.ge [sflag:s13], $0x4000  }
0xf8: {  	[sflag:s13] =	ssyncset.done $0x0  }
0xf9: {  	[sflag:s13] =	ssyncadd.s32 $0xFFFFC000  }
0xfa: {  	[hbm4b:s6+s2] =	stream.linear.scatter [tilespmem:s9], [sflag:$0x7], $0x4000, $0x38;
	[tilespmem:$0x18600] =	vst v63  }
0xfb: {  	_ =	swait.ge [sflag:s3], $0x4000  }
0xfc: {  	[sflag:s3] =	ssyncset.done $0x0  }
0xfd: {  	[sflag:s3] =	ssyncadd.s32 $0xFFFFC000  }
0xfe: {  	[hbm4b:s5+s2] =	stream.linear.scatter [tilespmem:s8], [sflag:$0x7], $0x4000, $0x38;
	[tilespmem:$0x18600] =	vst v63  }
0xff: {  	p1 =	sne.s32 s1, $0x1;
	_ =	swait.ge [sflag:s3], $0x4000  }
.Ltmp2:
0x100: {  	[sflag:s3] =	ssyncset.done $0x0;
	(pc) =	sbr.rel @p1 .LBB2_2-.Ltmp2, $4  }
0x101: {  	[sflag:s3] =	ssyncadd.s32 $0xFFFFC000  }
0x102: {  	[hbm4b:s4+s2] =	stream.linear.scatter [tilespmem:s7], [sflag:$0x7], $0x4000, $0x38;
	[tilespmem:$0x18600] =	vst v63  }
0x103: {  	_ =	swait.ge [sflag:s3], $0x4000  }
0x104: {  	s1 =	sadd.s32 $0xFFFFFFFF, s1;
	s0 =	rddreg [dreg:$0x3];
	[sflag:s3] =	ssyncset.done $0x0  }
.LBB2_3:
0x105: {  	[sflag:s3] =	ssyncadd.s32 @p0 $0xFFFFC000  }
0x106: {  	[tilespmem:s2], [sflag:$0x7] =	stream.linear.gather [hbm4b:s0+s2], $0x200, $0x38;
	[tilespmem:$0x18600] =	vst v63  }
0x107: {  	_ =	swait.ge [sflag:s3], $0x200  }
0x108: {  	[sflag:s3] =	ssyncset.done $0x0  }
0x109: {  	s1 =	rddreg [dreg:$0x4];
	[sflag:s3] =	ssyncadd.s32 $0xFFFFFE00  }
0x10a: {  	[tilespmem:s28], [sflag:$0x7] =	stream.linear.gather [hbm4b:s1+s2], $0x200, $0x38;
	[tilespmem:$0x18600] =	vst v63  }
0x10b: {  	_ =	swait.ge [sflag:s3], $0x200  }
0x10c: {  	[sflag:s3] =	ssyncset.done $0x0  }
0x10d: {  	s1 =	rddreg [dreg:$0x5];
	[sflag:s3] =	ssyncadd.s32 $0xFFFFFE00  }
0x10e: {  	[tilespmem:s29], [sflag:$0x7] =	stream.linear.gather [hbm4b:s1+s2], $0x200, $0x38;
	[tilespmem:$0x18600] =	vst v63  }
0x10f: {  	_ =	swait.ge [sflag:s3], $0x200  }
0x110: {  	[sflag:s3] =	ssyncset.done $0x0  }
0x111: {  	[sflag:s3] =	ssyncadd.s32 $0xFFFFFE00  }
0x112: {  	[tilespmem:s15], [sflag:$0x1] =	stream.indirect.gather [hbm4b:s10+s17], $0x80, s2, s17, $0xb8;
	[tilespmem:$0x18600] =	vst v63  }
0x113: {  	_ = 	snop  }
0x114: {  	[tilespmem:s12], [sflag:$0x2] =	stream.indirect.gather [hbm4b:s10+s17], $0x80, s28, s17, $0xb8;
	[tilespmem:$0x18600] =	vst v63  }
0x115: {  	_ = 	snop  }
0x116: {  	[tilespmem:s11], [sflag:$0x3] =	stream.indirect.gather [hbm4b:s10+s17], $0x80, s29, s17, $0xb8;
	[tilespmem:$0x18600] =	vst v63  }
0x117: {  	_ = 	snop  }
0x118: {  	[tilespmem:s9], [sflag:$0x4] =	stream.indirect.gather [hbm4b:s10+s17], $0x80, s17, s17, $0xb8;
	[tilespmem:$0x18600] =	vst v63  }
0x119: {  	_ = 	snop  }
0x11a: {  	[tilespmem:s8], [sflag:$0x5] =	stream.indirect.gather [hbm4b:s10+s17], $0x80, s30, s17, $0xb8;
	[tilespmem:$0x18600] =	vst v63  }
0x11b: {  	_ = 	snop  }
0x11c: {  	[tilespmem:s7], [sflag:$0x6] =	stream.indirect.gather [hbm4b:s10+s17], $0x80, s31, s17, $0xb8;
	[tilespmem:$0x18600] =	vst v63  }
0x11d: {  	_ =	swait.ge [sflag:s20], $0x4000  }
0x11e: {  	[sflag:s20] =	ssyncset.done $0x0  }
0x11f: {  	[sflag:s20] =	ssyncadd.s32 $0xFFFFC000  }
0x120: {  	_ =	swait.ge [sflag:s19], $0x4000  }
0x121: {  	[sflag:s19] =	ssyncset.done $0x0  }
0x122: {  	[sflag:s19] =	ssyncadd.s32 $0xFFFFC000  }
0x123: {  	_ =	swait.ge [sflag:s18], $0x4000  }
0x124: {  	[sflag:s18] =	ssyncset.done $0x0  }
0x125: {  	s30 =	rddreg [dreg:$0x6];
	[sflag:s18] =	ssyncadd.s32 $0xFFFFC000  }
0x126: {  	[hbm4b:s30+s2] =	stream.linear.scatter [tilespmem:s15], [sflag:$0x7], $0x4000, $0x38;
	[tilespmem:$0x18600] =	vst v63  }
0x127: {  	_ =	swait.ge [sflag:s3], $0x4000  }
0x128: {  	[sflag:s3] =	ssyncset.done $0x0  }
0x129: {  	s31 =	rddreg [dreg:$0x7];
	[sflag:s3] =	ssyncadd.s32 $0xFFFFC000  }
0x12a: {  	[hbm4b:s31+s2] =	stream.linear.scatter [tilespmem:s12], [sflag:$0x7], $0x4000, $0x38;
	[tilespmem:$0x18600] =	vst v63  }
0x12b: {  	_ =	swait.ge [sflag:s3], $0x4000  }
0x12c: {  	[sflag:s3] =	ssyncset.done $0x0  }
0x12d: {  	s1 =	rddreg [dreg:$0x8];
	[sflag:s3] =	ssyncadd.s32 $0xFFFFC000  }
0x12e: {  	[hbm4b:s1+s2] =	stream.linear.scatter [tilespmem:s11], [sflag:$0x7], $0x4000, $0x38;
	[tilespmem:$0x18600] =	vst v63  }
0x12f: {  	_ =	swait.ge [sflag:s3], $0x4000  }
0x130: {  	[sflag:s3] =	ssyncset.done $0x0  }
0x131: {  	[sflag:s3] =	ssyncadd.s32 $0xFFFFC000  }
0x132: {  	[tilespmem:s15], [sflag:$0x1] =	stream.indirect.gather [hbm4b:s10+s17], $0x80, s24, s17, $0xb8;
	[tilespmem:$0x18600] =	vst v63  }
0x133: {  	_ = 	snop  }
0x134: {  	[tilespmem:s12], [sflag:$0x2] =	stream.indirect.gather [hbm4b:s10+s17], $0x80, s25, s17, $0xb8;
	[tilespmem:$0x18600] =	vst v63  }
0x135: {  	_ = 	snop  }
0x136: {  	[tilespmem:s11], [sflag:$0x3] =	stream.indirect.gather [hbm4b:s10+s17], $0x80, s26, s17, $0xb8;
	[tilespmem:$0x18600] =	vst v63  }
0x137: {  	_ =	swait.ge [sflag:s16], $0x4000  }
0x138: {  	[sflag:s16] =	ssyncset.done $0x0  }
0x139: {  	[sflag:s16] =	ssyncadd.s32 $0xFFFFC000  }
0x13a: {  	_ =	swait.ge [sflag:s14], $0x4000  }
0x13b: {  	[sflag:s14] =	ssyncset.done $0x0  }
0x13c: {  	[sflag:s14] =	ssyncadd.s32 $0xFFFFC000  }
0x13d: {  	_ =	swait.ge [sflag:s13], $0x4000  }
0x13e: {  	[sflag:s13] =	ssyncset.done $0x0  }
0x13f: {  	s24 =	rddreg [dreg:$0x9];
	[sflag:s13] =	ssyncadd.s32 $0xFFFFC000  }
0x140: {  	[hbm4b:s24+s2] =	stream.linear.scatter [tilespmem:s9], [sflag:$0x7], $0x4000, $0x38;
	[tilespmem:$0x18600] =	vst v63  }
0x141: {  	_ =	swait.ge [sflag:s3], $0x4000  }
0x142: {  	[sflag:s3] =	ssyncset.done $0x0  }
0x143: {  	s25 =	rddreg [dreg:$0xa];
	[sflag:s3] =	ssyncadd.s32 $0xFFFFC000  }
0x144: {  	[hbm4b:s25+s2] =	stream.linear.scatter [tilespmem:s8], [sflag:$0x7], $0x4000, $0x38;
	[tilespmem:$0x18600] =	vst v63  }
0x145: {  	_ =	swait.ge [sflag:s3], $0x4000  }
0x146: {  	[sflag:s3] =	ssyncset.done $0x0  }
0x147: {  	s26 =	rddreg [dreg:$0xb];
	[sflag:s3] =	ssyncadd.s32 $0xFFFFC000  }
0x148: {  	[hbm4b:s26+s2] =	stream.linear.scatter [tilespmem:s7], [sflag:$0x7], $0x4000, $0x38;
	[tilespmem:$0x18600] =	vst v63  }
0x149: {  	_ =	swait.ge [sflag:s3], $0x4000  }
0x14a: {  	[sflag:s3] =	ssyncset.done $0x0  }
0x14b: {  	[sflag:s3] =	ssyncadd.s32 $0xFFFFC000  }
0x14c: {  	[tilespmem:s9], [sflag:$0x4] =	stream.indirect.gather [hbm4b:s10+s17], $0x80, s21, s17, $0xb8;
	[tilespmem:$0x18600] =	vst v63  }
0x14d: {  	_ = 	snop  }
0x14e: {  	[tilespmem:s8], [sflag:$0x5] =	stream.indirect.gather [hbm4b:s10+s17], $0x80, s22, s17, $0xb8;
	[tilespmem:$0x18600] =	vst v63  }
0x14f: {  	_ = 	snop  }
0x150: {  	[tilespmem:s7], [sflag:$0x6] =	stream.indirect.gather [hbm4b:s10+s17], $0x80, s23, s17, $0xb8;
	[tilespmem:$0x18600] =	vst v63  }
0x151: {  	_ =	swait.ge [sflag:s20], $0x4000  }
0x152: {  	[sflag:s20] =	ssyncset.done $0x0  }
0x153: {  	[sflag:s20] =	ssyncadd.s32 $0xFFFFC000  }
0x154: {  	_ =	swait.ge [sflag:s19], $0x4000  }
0x155: {  	[sflag:s19] =	ssyncset.done $0x0  }
0x156: {  	[sflag:s19] =	ssyncadd.s32 $0xFFFFC000  }
0x157: {  	_ =	swait.ge [sflag:s18], $0x4000  }
0x158: {  	[sflag:s18] =	ssyncset.done $0x0  }
0x159: {  	s28 =	rddreg [dreg:$0xc];
	[sflag:s18] =	ssyncadd.s32 $0xFFFFC000  }
0x15a: {  	[hbm4b:s28+s2] =	stream.linear.scatter [tilespmem:s15], [sflag:$0x7], $0x4000, $0x38;
	[tilespmem:$0x18600] =	vst v63  }
0x15b: {  	_ =	swait.ge [sflag:s3], $0x4000  }
0x15c: {  	[sflag:s3] =	ssyncset.done $0x0  }
0x15d: {  	s29 =	rddreg [dreg:$0xd];
	[sflag:s3] =	ssyncadd.s32 $0xFFFFC000  }
0x15e: {  	[hbm4b:s29+s2] =	stream.linear.scatter [tilespmem:s12], [sflag:$0x7], $0x4000, $0x38;
	[tilespmem:$0x18600] =	vst v63  }
0x15f: {  	_ =	swait.ge [sflag:s3], $0x4000  }
0x160: {  	[sflag:s3] =	ssyncset.done $0x0  }
0x161: {  	s30 =	rddreg [dreg:$0xe];
	[sflag:s3] =	ssyncadd.s32 $0xFFFFC000  }
0x162: {  	[hbm4b:s30+s2] =	stream.linear.scatter [tilespmem:s11], [sflag:$0x7], $0x4000, $0x38;
	[tilespmem:$0x18600] =	vst v63  }
0x163: {  	_ =	swait.ge [sflag:s3], $0x4000  }
0x164: {  	[sflag:s3] =	ssyncset.done $0x0  }
0x165: {  	[sflag:s3] =	ssyncadd.s32 $0xFFFFC000  }
0x166: {  	_ =	swait.ge [sflag:s16], $0x4000  }
0x167: {  	[sflag:s16] =	ssyncset.done $0x0  }
0x168: {  	[sflag:s16] =	ssyncadd.s32 $0xFFFFC000  }
0x169: {  	_ =	swait.ge [sflag:s14], $0x4000  }
0x16a: {  	[sflag:s14] =	ssyncset.done $0x0  }
0x16b: {  	[sflag:s14] =	ssyncadd.s32 $0xFFFFC000  }
0x16c: {  	_ =	swait.ge [sflag:s13], $0x4000  }
0x16d: {  	[sflag:s13] =	ssyncset.done $0x0  }
0x16e: {  	[sflag:s13] =	ssyncadd.s32 $0xFFFFC000  }
0x16f: {  	[hbm4b:s6+s2] =	stream.linear.scatter [tilespmem:s9], [sflag:$0x7], $0x4000, $0x38;
	[tilespmem:$0x18600] =	vst v63  }
0x170: {  	_ =	swait.ge [sflag:s3], $0x4000  }
0x171: {  	[sflag:s3] =	ssyncset.done $0x0  }
0x172: {  	[sflag:s3] =	ssyncadd.s32 $0xFFFFC000  }
0x173: {  	[hbm4b:s5+s2] =	stream.linear.scatter [tilespmem:s8], [sflag:$0x7], $0x4000, $0x38;
	[tilespmem:$0x18600] =	vst v63  }
0x174: {  	_ =	swait.ge [sflag:s3], $0x4000  }
0x175: {  	[sflag:s3] =	ssyncset.done $0x0  }
0x176: {  	[sflag:s3] =	ssyncadd.s32 $0xFFFFC000  }
0x177: {  	[hbm4b:s4+s2] =	stream.linear.scatter [tilespmem:s7], [sflag:$0x7], $0x4000, $0x38;
	[tilespmem:$0x18600] =	vst v63  }
0x178: {  	_ =	swait.ge [sflag:s3], $0x4000  }
0x179: {  	[sflag:s3] =	ssyncset.done $0x0  }
0x17a: {  	[sflag:s3] =	ssyncadd.s32 $0xFFFFC000  }
0x17b: {  	_ =	sfence.sel $0x180000  }
0x17c: {  	[bflag:$0x0] =	sbarrier.arrive $0xFFFF  }
0x17d: {  	_ =	strace $0x90000047  }
0x17e: {  	s31 =	stileid.u32;
	[bflag:$0x2] =	sbarrier.arrive $0xFFFF  }
0x17f: {  	p0 =	sne.s32 s31, $0x0;
	s0 =	rddreg [dreg:$0x2]  }
0x180: {  	s0 =	sadd.s32 @!p0 $0x100000, s0  }
0x181: {  	[sflag:s0] =	ssyncadd.tile.s32 @!p0 $0x1;
	_ =	shalt  }
.Lfunc_end2:
_tile_overlayer_lowered:
.L_overlay_start_2:
0x182: {  	(tag) =	ssettag $0x2  }
0x183: {  	s0 =	rddreg [dreg:$0x0];
	s2 =	stileid.u32  }
0x184: {  	s1 =	rddreg [dreg:$0x1];
	p0 =	sne.s32 s2, $0x0  }
0x185: {  	s3 =	rddreg [dreg:$0x2];
	[bflag:$0x3] =	sbarrier.arrive $0xFFFF;
	s2 =	simm.s32 @!p0 $0x1C07  }
0x186: {  	[timem:s3], [sflag:s2] =	dma.local @!p0 [hbm:s0], s1  }
0x187: {  	s0 =	simm.s32 @!p0 $0x7  }
0x188: {  	_ =	swait.ge @!p0 [sflag:s0], s1  }
0x189: {  	s1 =	ssub.s32 @!p0 $0x0, s1;
	[sflag:s0] =	ssyncset.done @!p0 $0x0  }
0x18a: {  	[sflag:s0] =	ssyncadd.s32 @!p0 s1  }
0x18b: {  	[bflag:$0x3] =	sbarrier.arrive $0xFFFF  }
0x18c: {  	_ =	shalt  }

</sc_bundles>
